<compile_context>
chip_gen: v7x
topology: tpu7x:2x2x1
jax: 0.10.2.dev20260603
libtpu: 0.0.44.dev20260713+nightly
codegen_flags: <defaults>
</compile_context>

<pallas_src>
import functools

import jax
import jax.numpy as jnp
from jax import lax
from jax.experimental import pallas as pl
from jax.experimental.pallas import tpu as pltpu
from jax.experimental.pallas import tpu_sc as plsc

NC = 2
NS = 16
NW = NC * NS
LANES = 16
CH = 128


def _prep_body(seg_ids_ref, pos_ref, seg_tab_ref, comb_ref, cidx_ref):
    comb_ref[...] = pos_ref[...][:, None, :] + seg_tab_ref[...][None, :, :]
    s_iota = lax.broadcasted_iota(jnp.int32, seg_ids_ref.shape, 1)
    cidx_ref[...] = seg_ids_ref[...] + 3 * s_iota


def _sc_body(n_chunks, tok_hbm, ids_hbm, cidx_hbm, comb_hbm, out_hbm,
             idx_t, idx_c, rt0, rt1, rt2, ro0, ro1, ro2,
             gs0, gs1, gs2, ss0, ss1, ss2):
    wid = lax.axis_index("s") * NC + lax.axis_index("c")
    pw = n_chunks * CH
    base0 = wid * pw

    pltpu.sync_copy(ids_hbm.at[pl.ds(base0, pw)], idx_t)
    pltpu.sync_copy(cidx_hbm.at[pl.ds(base0, pw)], idx_c)

    def fire(g, rt, ro, gsem):
        it = idx_t.at[pl.ds(g * CH, CH)]
        ic = idx_c.at[pl.ds(g * CH, CH)]
        pltpu.async_copy(tok_hbm.at[it], rt, gsem)
        pltpu.async_copy(comb_hbm.at[ic], ro, gsem)

    def wait_scatter(ro, ssem):
        pltpu.make_async_copy(ro, out_hbm.at[pl.ds(base0, CH)], ssem).wait()

    def proc(g, rt, ro, gsem, ssem):
        dummy = tok_hbm.at[pl.ds(0, CH)]
        pltpu.make_async_copy(dummy, rt, gsem).wait()
        pltpu.make_async_copy(dummy, ro, gsem).wait()

        def row_body(r, rcarry):
            for c in range(8):
                sl = pl.ds(c * LANES, LANES)
                plsc.addupdate(ro.at[r, sl], rt[r, sl])
            return rcarry

        lax.fori_loop(0, CH, row_body, 0)
        pltpu.async_copy(ro, out_hbm.at[pl.ds(base0 + g * CH, CH)], ssem)

    slots = ((rt0, ro0, gs0, ss0), (rt1, ro1, gs1, ss1), (rt2, ro2, gs2, ss2))
    nslots = len(slots)
    n_main = n_chunks // nslots
    n_tail = n_chunks - n_main * nslots

    for i, (rt, ro, gsem, _) in enumerate(slots):
        fire(i, rt, ro, gsem)

    def round_body(k, carry):
        g0 = nslots * k
        for i, (rt, ro, gsem, ssem) in enumerate(slots):
            proc(g0 + i, rt, ro, gsem, ssem)
            gn = g0 + i + nslots

            @pl.when(gn < n_chunks)
            def _(rt=rt, ro=ro, gsem=gsem, ssem=ssem, gn=gn):
                wait_scatter(ro, ssem)
                fire(gn, rt, ro, gsem)

        return carry

    lax.fori_loop(0, n_main, round_body, 0)
    for i in range(n_tail):
        rt, ro, gsem, ssem = slots[i]
        proc(n_main * nslots + i, rt, ro, gsem, ssem)
    for _, ro, _, ssem in slots:
        wait_scatter(ro, ssem)


def kernel(input_ids, segment_ids, token_table, segment_table, pos_table):
    B, S = input_ids.shape
    H = token_table.shape[1]
    R = B * S
    assert R % (NW * CH) == 0
    n_chunks = R // (NW * CH)

    comb3, cidx = pl.pallas_call(
        _prep_body,
        out_shape=(
            jax.ShapeDtypeStruct((S, 3, H), jnp.float32),
            jax.ShapeDtypeStruct((B, S), jnp.int32),
        ),
    )(segment_ids.astype(jnp.int32), pos_table[:S], segment_table)

    comb = comb3.reshape(S * 3, H)
    ids_flat = input_ids.astype(jnp.int32).reshape(R)
    cidx_flat = cidx.reshape(R)

    sc_fn = functools.partial(
        pl.kernel,
        out_type=jax.ShapeDtypeStruct((R, H), jnp.float32),
        mesh=plsc.VectorSubcoreMesh(core_axis_name="c", subcore_axis_name="s"),
        scratch_types=[
            pltpu.VMEM((R // NW,), jnp.int32),
            pltpu.VMEM((R // NW,), jnp.int32),
            pltpu.VMEM((CH, H), jnp.float32),
            pltpu.VMEM((CH, H), jnp.float32),
            pltpu.VMEM((CH, H), jnp.float32),
            pltpu.VMEM((CH, H), jnp.float32),
            pltpu.VMEM((CH, H), jnp.float32),
            pltpu.VMEM((CH, H), jnp.float32),
            pltpu.SemaphoreType.DMA,
            pltpu.SemaphoreType.DMA,
            pltpu.SemaphoreType.DMA,
            pltpu.SemaphoreType.DMA,
            pltpu.SemaphoreType.DMA,
            pltpu.SemaphoreType.DMA,
        ],
    )(functools.partial(_sc_body, n_chunks))

    out2d = sc_fn(token_table, ids_flat, cidx_flat, comb)
    return out2d.reshape(B, S, H)

# --- scband reference (transcript-rebuilt; emitter-appended) ---
"""Pipeline reference for scband-embeddings-17051020165408 (READ-ONLY COPY).

The authoritative reference and input builder live on the scoring server;
editing this copy changes nothing except your own understanding.
"""

import jax, jax.numpy as jnp
import numpy as np

VOCAB = 100000
HIDDEN = 128
SEQ = 200
BATCH = 1024
MAX_POS = 512

def setup_inputs(seed: int = 0) -> dict:
    key = jax.random.key(seed)
    k1, k2, k3, k4, k5 = jax.random.split(key, 5)
    input_ids = jax.random.randint(k1, (BATCH, SEQ), 0, VOCAB, dtype=jnp.int64 if jax.config.jax_enable_x64 else jnp.int32)
    segment_ids = jax.random.randint(k2, (BATCH, SEQ), 0, 3, dtype=jnp.int64 if jax.config.jax_enable_x64 else jnp.int32)
    token_table = jax.random.normal(k3, (VOCAB, HIDDEN), dtype=jnp.float32) * 0.02
    segment_table = jax.random.normal(k4, (3, HIDDEN), dtype=jnp.float32) * 0.02
    pos_table = jax.random.normal(k5, (MAX_POS, HIDDEN), dtype=jnp.float32) * 0.02
    return {"input_ids": input_ids, "segment_ids": segment_ids, "token_table": token_table, "segment_table": segment_table, "pos_table": pos_table}

def reference(input_ids, segment_ids, token_table, segment_table, pos_table):
    # PositionalEmbeddings: learned positional table indexed by position, broadcast over batch
    seq_len = input_ids.shape[1]
    positions = jnp.arange(seq_len)
    pos_info = jnp.take(pos_table, positions, axis=0)[None, :, :]  # [1, S, H]
    seg_info = jnp.take(segment_table, segment_ids, axis=0)         # [B, S, H]
    x = jnp.take(token_table, input_ids, axis=0)                    # [B, S, H]
    x = x + pos_info + seg_info
    # training=False -> no dropout
    return x

if __name__ == "__main__":
    import jax
    _d = setup_inputs()
    print(jax.jit(kernel)(*tuple(_d.values())))

</pallas_src>

<mosaic_0001>
#map = affine_map<(d0, d1) -> (0, 0)>
#map1 = affine_map<(d0, d1) -> (0)>
module attributes {stable_mosaic.version = 14 : i64} {
  func.func @_sc_body(%arg0: i32, %arg1: i32, %arg2: memref<100000x128xf32, #tpu.memory_space<hbm>>, %arg3: memref<204800xi32, #tpu.memory_space<hbm>>, %arg4: memref<204800xi32, #tpu.memory_space<hbm>>, %arg5: memref<600x128xf32, #tpu.memory_space<hbm>>, %arg6: memref<204800x128xf32, #tpu.memory_space<hbm>>, %arg7: memref<6400xi32, #tpu.memory_space<vmem>>, %arg8: memref<6400xi32, #tpu.memory_space<vmem>>, %arg9: memref<128x128xf32, #tpu.memory_space<vmem>>, %arg10: memref<128x128xf32, #tpu.memory_space<vmem>>, %arg11: memref<128x128xf32, #tpu.memory_space<vmem>>, %arg12: memref<128x128xf32, #tpu.memory_space<vmem>>, %arg13: memref<128x128xf32, #tpu.memory_space<vmem>>, %arg14: memref<128x128xf32, #tpu.memory_space<vmem>>, %arg15: memref<!tpu.dma_semaphore, #tpu.memory_space<semaphore_mem>>, %arg16: memref<!tpu.dma_semaphore, #tpu.memory_space<semaphore_mem>>, %arg17: memref<!tpu.dma_semaphore, #tpu.memory_space<semaphore_mem>>, %arg18: memref<!tpu.dma_semaphore, #tpu.memory_space<semaphore_mem>>, %arg19: memref<!tpu.dma_semaphore, #tpu.memory_space<semaphore_mem>>, %arg20: memref<!tpu.dma_semaphore, #tpu.memory_space<semaphore_mem>>) attributes {dimension_semantics = [#tpu.dimension_semantics<core_parallel>, #tpu.dimension_semantics<subcore_parallel>], iteration_bounds = array<i64: 2, 16>, scalar_prefetch = 0 : i64, scratch_operands = 14 : i64, tpu.core_type = #tpu.core_type<sc_vector_subcore>, window_params = [{transform_indices = #map}, {transform_indices = #map1}, {transform_indices = #map1}, {transform_indices = #map}, {transform_indices = #map}]} {
    %mul3A = arith.constant 2 : i32
    %mul3A_0 = arith.muli %arg1, %mul3A : i32
    %add3A = arith.addi %mul3A_0, %arg0 : i32
    %mul3A_1 = arith.constant 6400 : i32
    %mul3A_2 = arith.muli %add3A, %mul3A_1 : i32
    "tpu.region"() ({
      %run_scoped3A = tpu.sem_alloc : memref<!tpu.dma_semaphore, #tpu.memory_space<semaphore_mem>>
      %dma_start3A_96 = tpu.memref_slice %arg3[%mul3A_2] : memref<204800xi32, #tpu.memory_space<hbm>> -> memref<6400xi32, #tpu.memory_space<hbm>>
      %dma_start3A_97 = tpu.memref_slice %arg3[%mul3A_2] : memref<204800xi32, #tpu.memory_space<hbm>> -> memref<6400xi32, #tpu.memory_space<hbm>>
      tpu.enqueue_dma source(%dma_start3A_97 : memref<6400xi32, #tpu.memory_space<hbm>>) target(%arg7 : memref<6400xi32, #tpu.memory_space<vmem>>) target_semaphore(%run_scoped3A : memref<!tpu.dma_semaphore, #tpu.memory_space<semaphore_mem>>)
      %dma_wait3A_98 = tpu.memref_slice %arg3[%mul3A_2] : memref<204800xi32, #tpu.memory_space<hbm>> -> memref<6400xi32, #tpu.memory_space<hbm>>
      %dma_wait3A_99 = tpu.memref_slice %arg3[%mul3A_2] : memref<204800xi32, #tpu.memory_space<hbm>> -> memref<6400xi32, #tpu.memory_space<hbm>>
      tpu.wait_dma2 semaphore(%run_scoped3A : memref<!tpu.dma_semaphore, #tpu.memory_space<semaphore_mem>>) src(%dma_wait3A_99 : memref<6400xi32, #tpu.memory_space<hbm>>) dst(%arg7 : memref<6400xi32, #tpu.memory_space<vmem>>)
      tpu.yield
    }) : () -> ()
    "tpu.region"() ({
      %run_scoped3A = tpu.sem_alloc : memref<!tpu.dma_semaphore, #tpu.memory_space<semaphore_mem>>
      %dma_start3A_96 = tpu.memref_slice %arg4[%mul3A_2] : memref<204800xi32, #tpu.memory_space<hbm>> -> memref<6400xi32, #tpu.memory_space<hbm>>
      %dma_start3A_97 = tpu.memref_slice %arg4[%mul3A_2] : memref<204800xi32, #tpu.memory_space<hbm>> -> memref<6400xi32, #tpu.memory_space<hbm>>
      tpu.enqueue_dma source(%dma_start3A_97 : memref<6400xi32, #tpu.memory_space<hbm>>) target(%arg8 : memref<6400xi32, #tpu.memory_space<vmem>>) target_semaphore(%run_scoped3A : memref<!tpu.dma_semaphore, #tpu.memory_space<semaphore_mem>>)
      %dma_wait3A_98 = tpu.memref_slice %arg4[%mul3A_2] : memref<204800xi32, #tpu.memory_space<hbm>> -> memref<6400xi32, #tpu.memory_space<hbm>>
      %dma_wait3A_99 = tpu.memref_slice %arg4[%mul3A_2] : memref<204800xi32, #tpu.memory_space<hbm>> -> memref<6400xi32, #tpu.memory_space<hbm>>
      tpu.wait_dma2 semaphore(%run_scoped3A : memref<!tpu.dma_semaphore, #tpu.memory_space<semaphore_mem>>) src(%dma_wait3A_99 : memref<6400xi32, #tpu.memory_space<hbm>>) dst(%arg8 : memref<6400xi32, #tpu.memory_space<vmem>>)
      tpu.yield
    }) : () -> ()
    %dma_start3A = arith.constant 0 : i32
    %dma_start3A_3 = tpu.memref_slice %arg7[%dma_start3A] : memref<6400xi32, #tpu.memory_space<vmem>> -> memref<128xi32, #tpu.memory_space<vmem>>
    %dma_start3A_4 = arith.constant 0 : i32
    %dma_start3A_5 = arith.constant 0 : i32
    %dma_start3A_6 = tpu.memref_slice %arg2[%dma_start3A_4, %dma_start3A_5] : memref<100000x128xf32, #tpu.memory_space<hbm>> -> memref<100000x128xf32, #tpu.memory_space<hbm>>
    tpu.enqueue_indirect_dma source(%dma_start3A_6 : memref<100000x128xf32, #tpu.memory_space<hbm>>) target(%arg9 : memref<128x128xf32, #tpu.memory_space<vmem>>) offsets(%dma_start3A_3 : memref<128xi32, #tpu.memory_space<vmem>>) semaphore(%arg15 : memref<!tpu.dma_semaphore, #tpu.memory_space<semaphore_mem>>)
    %dma_start3A_7 = arith.constant 0 : i32
    %dma_start3A_8 = tpu.memref_slice %arg8[%dma_start3A_7] : memref<6400xi32, #tpu.memory_space<vmem>> -> memref<128xi32, #tpu.memory_space<vmem>>
    %dma_start3A_9 = arith.constant 0 : i32
    %dma_start3A_10 = arith.constant 0 : i32
    %dma_start3A_11 = tpu.memref_slice %arg5[%dma_start3A_9, %dma_start3A_10] : memref<600x128xf32, #tpu.memory_space<hbm>> -> memref<600x128xf32, #tpu.memory_space<hbm>>
    tpu.enqueue_indirect_dma source(%dma_start3A_11 : memref<600x128xf32, #tpu.memory_space<hbm>>) target(%arg12 : memref<128x128xf32, #tpu.memory_space<vmem>>) offsets(%dma_start3A_8 : memref<128xi32, #tpu.memory_space<vmem>>) semaphore(%arg15 : memref<!tpu.dma_semaphore, #tpu.memory_space<semaphore_mem>>)
    %dma_start3A_12 = arith.constant 128 : i32
    %dma_start3A_13 = tpu.memref_slice %arg7[%dma_start3A_12] : memref<6400xi32, #tpu.memory_space<vmem>> -> memref<128xi32, #tpu.memory_space<vmem>>
    %dma_start3A_14 = arith.constant 0 : i32
    %dma_start3A_15 = arith.constant 0 : i32
    %dma_start3A_16 = tpu.memref_slice %arg2[%dma_start3A_14, %dma_start3A_15] : memref<100000x128xf32, #tpu.memory_space<hbm>> -> memref<100000x128xf32, #tpu.memory_space<hbm>>
    tpu.enqueue_indirect_dma source(%dma_start3A_16 : memref<100000x128xf32, #tpu.memory_space<hbm>>) target(%arg10 : memref<128x128xf32, #tpu.memory_space<vmem>>) offsets(%dma_start3A_13 : memref<128xi32, #tpu.memory_space<vmem>>) semaphore(%arg16 : memref<!tpu.dma_semaphore, #tpu.memory_space<semaphore_mem>>)
    %dma_start3A_17 = arith.constant 128 : i32
    %dma_start3A_18 = tpu.memref_slice %arg8[%dma_start3A_17] : memref<6400xi32, #tpu.memory_space<vmem>> -> memref<128xi32, #tpu.memory_space<vmem>>
    %dma_start3A_19 = arith.constant 0 : i32
    %dma_start3A_20 = arith.constant 0 : i32
    %dma_start3A_21 = tpu.memref_slice %arg5[%dma_start3A_19, %dma_start3A_20] : memref<600x128xf32, #tpu.memory_space<hbm>> -> memref<600x128xf32, #tpu.memory_space<hbm>>
    tpu.enqueue_indirect_dma source(%dma_start3A_21 : memref<600x128xf32, #tpu.memory_space<hbm>>) target(%arg13 : memref<128x128xf32, #tpu.memory_space<vmem>>) offsets(%dma_start3A_18 : memref<128xi32, #tpu.memory_space<vmem>>) semaphore(%arg16 : memref<!tpu.dma_semaphore, #tpu.memory_space<semaphore_mem>>)
    %dma_start3A_22 = arith.constant 256 : i32
    %dma_start3A_23 = tpu.memref_slice %arg7[%dma_start3A_22] : memref<6400xi32, #tpu.memory_space<vmem>> -> memref<128xi32, #tpu.memory_space<vmem>>
    %dma_start3A_24 = arith.constant 0 : i32
    %dma_start3A_25 = arith.constant 0 : i32
    %dma_start3A_26 = tpu.memref_slice %arg2[%dma_start3A_24, %dma_start3A_25] : memref<100000x128xf32, #tpu.memory_space<hbm>> -> memref<100000x128xf32, #tpu.memory_space<hbm>>
    tpu.enqueue_indirect_dma source(%dma_start3A_26 : memref<100000x128xf32, #tpu.memory_space<hbm>>) target(%arg11 : memref<128x128xf32, #tpu.memory_space<vmem>>) offsets(%dma_start3A_23 : memref<128xi32, #tpu.memory_space<vmem>>) semaphore(%arg17 : memref<!tpu.dma_semaphore, #tpu.memory_space<semaphore_mem>>)
    %dma_start3A_27 = arith.constant 256 : i32
    %dma_start3A_28 = tpu.memref_slice %arg8[%dma_start3A_27] : memref<6400xi32, #tpu.memory_space<vmem>> -> memref<128xi32, #tpu.memory_space<vmem>>
    %dma_start3A_29 = arith.constant 0 : i32
    %dma_start3A_30 = arith.constant 0 : i32
    %dma_start3A_31 = tpu.memref_slice %arg5[%dma_start3A_29, %dma_start3A_30] : memref<600x128xf32, #tpu.memory_space<hbm>> -> memref<600x128xf32, #tpu.memory_space<hbm>>
    tpu.enqueue_indirect_dma source(%dma_start3A_31 : memref<600x128xf32, #tpu.memory_space<hbm>>) target(%arg14 : memref<128x128xf32, #tpu.memory_space<vmem>>) offsets(%dma_start3A_28 : memref<128xi32, #tpu.memory_space<vmem>>) semaphore(%arg17 : memref<!tpu.dma_semaphore, #tpu.memory_space<semaphore_mem>>)
    %scan3A = arith.constant 0 : i32
    %scan3A_32 = arith.constant 0 : i32
    %scan3A_33 = arith.constant 16 : i32
    %scan3A_34 = arith.addi %scan3A_32, %scan3A_33 : i32
    %scan3A_35 = arith.constant 1 : i32
    scf.for %scan3A_96 = %scan3A_32 to %scan3A_34 step %scan3A_35  : i32 {
      %mul3A_97 = arith.constant 3 : i32
      %mul3A_98 = arith.muli %mul3A_97, %scan3A_96 : i32
      %add3A_99 = arith.constant 0 : i32
      %add3A_100 = arith.addi %mul3A_98, %add3A_99 : i32
      %dma_wait3A_101 = arith.constant 0 : i32
      %dma_wait3A_102 = arith.constant 0 : i32
      %dma_wait3A_103 = tpu.memref_slice %arg2[%dma_wait3A_101, %dma_wait3A_102] : memref<100000x128xf32, #tpu.memory_space<hbm>> -> memref<128x128xf32, #tpu.memory_space<hbm>>
      %dma_wait3A_104 = arith.constant 0 : i32
      %dma_wait3A_105 = arith.constant 0 : i32
      %dma_wait3A_106 = tpu.memref_slice %arg2[%dma_wait3A_104, %dma_wait3A_105] : memref<100000x128xf32, #tpu.memory_space<hbm>> -> memref<128x128xf32, #tpu.memory_space<hbm>>
      tpu.wait_dma2 semaphore(%arg15 : memref<!tpu.dma_semaphore, #tpu.memory_space<semaphore_mem>>) src(%dma_wait3A_106 : memref<128x128xf32, #tpu.memory_space<hbm>>) dst(%arg9 : memref<128x128xf32, #tpu.memory_space<vmem>>)
      %dma_wait3A_107 = arith.constant 0 : i32
      %dma_wait3A_108 = arith.constant 0 : i32
      %dma_wait3A_109 = tpu.memref_slice %arg2[%dma_wait3A_107, %dma_wait3A_108] : memref<100000x128xf32, #tpu.memory_space<hbm>> -> memref<128x128xf32, #tpu.memory_space<hbm>>
      %dma_wait3A_110 = arith.constant 0 : i32
      %dma_wait3A_111 = arith.constant 0 : i32
      %dma_wait3A_112 = tpu.memref_slice %arg2[%dma_wait3A_110, %dma_wait3A_111] : memref<100000x128xf32, #tpu.memory_space<hbm>> -> memref<128x128xf32, #tpu.memory_space<hbm>>
      tpu.wait_dma2 semaphore(%arg15 : memref<!tpu.dma_semaphore, #tpu.memory_space<semaphore_mem>>) src(%dma_wait3A_112 : memref<128x128xf32, #tpu.memory_space<hbm>>) dst(%arg12 : memref<128x128xf32, #tpu.memory_space<vmem>>)
      %scan3A_113 = arith.constant 0 : i32
      %scan3A_114 = arith.constant 0 : i32
      %scan3A_115 = arith.constant 128 : i32
      %scan3A_116 = arith.addi %scan3A_114, %scan3A_115 : i32
      %scan3A_117 = arith.constant 1 : i32
      scf.for %scan3A_204 = %scan3A_114 to %scan3A_116 step %scan3A_117  : i32 {
        %get3A = arith.index_cast %scan3A_204 : i32 to index
        %get3A_205 = arith.constant 0 : index
        %get3A_206 = tpu.vector_load %arg9[%get3A, %get3A_205] {strides = array<i32>} : memref<128x128xf32, #tpu.memory_space<vmem>>, vector<1x16xf32>,
        %get3A_207 = vector.shape_cast %get3A_206 : vector<1x16xf32> to vector<16xf32>
        %swap3A = arith.index_cast %scan3A_204 : i32 to index
        %swap3A_208 = arith.constant 0 : index
        %swap3A_209 = tpu.vector_load %arg12[%swap3A, %swap3A_208] {strides = array<i32>} : memref<128x128xf32, #tpu.memory_space<vmem>>, vector<1x16xf32>,
        %swap3A_210 = vector.shape_cast %swap3A_209 : vector<1x16xf32> to vector<16xf32>
        %swap3A_211 = vector.shape_cast %get3A_207 : vector<16xf32> to vector<1x16xf32>
        tpu.vector_store %arg12[%swap3A, %swap3A_208], %swap3A_211 {add = true, strides = array<i32>} : memref<128x128xf32, #tpu.memory_space<vmem>>, vector<1x16xf32>,
        %get3A_212 = arith.index_cast %scan3A_204 : i32 to index
        %get3A_213 = arith.constant 16 : index
        %get3A_214 = tpu.vector_load %arg9[%get3A_212, %get3A_213] {strides = array<i32>} : memref<128x128xf32, #tpu.memory_space<vmem>>, vector<1x16xf32>,
        %get3A_215 = vector.shape_cast %get3A_214 : vector<1x16xf32> to vector<16xf32>
        %swap3A_216 = arith.index_cast %scan3A_204 : i32 to index
        %swap3A_217 = arith.constant 16 : index
        %swap3A_218 = tpu.vector_load %arg12[%swap3A_216, %swap3A_217] {strides = array<i32>} : memref<128x128xf32, #tpu.memory_space<vmem>>, vector<1x16xf32>,
        %swap3A_219 = vector.shape_cast %swap3A_218 : vector<1x16xf32> to vector<16xf32>
        %swap3A_220 = vector.shape_cast %get3A_215 : vector<16xf32> to vector<1x16xf32>
        tpu.vector_store %arg12[%swap3A_216, %swap3A_217], %swap3A_220 {add = true, strides = array<i32>} : memref<128x128xf32, #tpu.memory_space<vmem>>, vector<1x16xf32>,
        %get3A_221 = arith.index_cast %scan3A_204 : i32 to index
        %get3A_222 = arith.constant 32 : index
        %get3A_223 = tpu.vector_load %arg9[%get3A_221, %get3A_222] {strides = array<i32>} : memref<128x128xf32, #tpu.memory_space<vmem>>, vector<1x16xf32>,
        %get3A_224 = vector.shape_cast %get3A_223 : vector<1x16xf32> to vector<16xf32>
        %swap3A_225 = arith.index_cast %scan3A_204 : i32 to index
        %swap3A_226 = arith.constant 32 : index
        %swap3A_227 = tpu.vector_load %arg12[%swap3A_225, %swap3A_226] {strides = array<i32>} : memref<128x128xf32, #tpu.memory_space<vmem>>, vector<1x16xf32>,
        %swap3A_228 = vector.shape_cast %swap3A_227 : vector<1x16xf32> to vector<16xf32>
        %swap3A_229 = vector.shape_cast %get3A_224 : vector<16xf32> to vector<1x16xf32>
        tpu.vector_store %arg12[%swap3A_225, %swap3A_226], %swap3A_229 {add = true, strides = array<i32>} : memref<128x128xf32, #tpu.memory_space<vmem>>, vector<1x16xf32>,
        %get3A_230 = arith.index_cast %scan3A_204 : i32 to index
        %get3A_231 = arith.constant 48 : index
        %get3A_232 = tpu.vector_load %arg9[%get3A_230, %get3A_231] {strides = array<i32>} : memref<128x128xf32, #tpu.memory_space<vmem>>, vector<1x16xf32>,
        %get3A_233 = vector.shape_cast %get3A_232 : vector<1x16xf32> to vector<16xf32>
        %swap3A_234 = arith.index_cast %scan3A_204 : i32 to index
        %swap3A_235 = arith.constant 48 : index
        %swap3A_236 = tpu.vector_load %arg12[%swap3A_234, %swap3A_235] {strides = array<i32>} : memref<128x128xf32, #tpu.memory_space<vmem>>, vector<1x16xf32>,
        %swap3A_237 = vector.shape_cast %swap3A_236 : vector<1x16xf32> to vector<16xf32>
        %swap3A_238 = vector.shape_cast %get3A_233 : vector<16xf32> to vector<1x16xf32>
        tpu.vector_store %arg12[%swap3A_234, %swap3A_235], %swap3A_238 {add = true, strides = array<i32>} : memref<128x128xf32, #tpu.memory_space<vmem>>, vector<1x16xf32>,
        %get3A_239 = arith.index_cast %scan3A_204 : i32 to index
        %get3A_240 = arith.constant 64 : index
        %get3A_241 = tpu.vector_load %arg9[%get3A_239, %get3A_240] {strides = array<i32>} : memref<128x128xf32, #tpu.memory_space<vmem>>, vector<1x16xf32>,
        %get3A_242 = vector.shape_cast %get3A_241 : vector<1x16xf32> to vector<16xf32>
        %swap3A_243 = arith.index_cast %scan3A_204 : i32 to index
        %swap3A_244 = arith.constant 64 : index
        %swap3A_245 = tpu.vector_load %arg12[%swap3A_243, %swap3A_244] {strides = array<i32>} : memref<128x128xf32, #tpu.memory_space<vmem>>, vector<1x16xf32>,
        %swap3A_246 = vector.shape_cast %swap3A_245 : vector<1x16xf32> to vector<16xf32>
        %swap3A_247 = vector.shape_cast %get3A_242 : vector<16xf32> to vector<1x16xf32>
        tpu.vector_store %arg12[%swap3A_243, %swap3A_244], %swap3A_247 {add = true, strides = array<i32>} : memref<128x128xf32, #tpu.memory_space<vmem>>, vector<1x16xf32>,
        %get3A_248 = arith.index_cast %scan3A_204 : i32 to index
        %get3A_249 = arith.constant 80 : index
        %get3A_250 = tpu.vector_load %arg9[%get3A_248, %get3A_249] {strides = array<i32>} : memref<128x128xf32, #tpu.memory_space<vmem>>, vector<1x16xf32>,
        %get3A_251 = vector.shape_cast %get3A_250 : vector<1x16xf32> to vector<16xf32>
        %swap3A_252 = arith.index_cast %scan3A_204 : i32 to index
        %swap3A_253 = arith.constant 80 : index
        %swap3A_254 = tpu.vector_load %arg12[%swap3A_252, %swap3A_253] {strides = array<i32>} : memref<128x128xf32, #tpu.memory_space<vmem>>, vector<1x16xf32>,
        %swap3A_255 = vector.shape_cast %swap3A_254 : vector<1x16xf32> to vector<16xf32>
        %swap3A_256 = vector.shape_cast %get3A_251 : vector<16xf32> to vector<1x16xf32>
        tpu.vector_store %arg12[%swap3A_252, %swap3A_253], %swap3A_256 {add = true, strides = array<i32>} : memref<128x128xf32, #tpu.memory_space<vmem>>, vector<1x16xf32>,
        %get3A_257 = arith.index_cast %scan3A_204 : i32 to index
        %get3A_258 = arith.constant 96 : index
        %get3A_259 = tpu.vector_load %arg9[%get3A_257, %get3A_258] {strides = array<i32>} : memref<128x128xf32, #tpu.memory_space<vmem>>, vector<1x16xf32>,
        %get3A_260 = vector.shape_cast %get3A_259 : vector<1x16xf32> to vector<16xf32>
        %swap3A_261 = arith.index_cast %scan3A_204 : i32 to index
        %swap3A_262 = arith.constant 96 : index
        %swap3A_263 = tpu.vector_load %arg12[%swap3A_261, %swap3A_262] {strides = array<i32>} : memref<128x128xf32, #tpu.memory_space<vmem>>, vector<1x16xf32>,
        %swap3A_264 = vector.shape_cast %swap3A_263 : vector<1x16xf32> to vector<16xf32>
        %swap3A_265 = vector.shape_cast %get3A_260 : vector<16xf32> to vector<1x16xf32>
        tpu.vector_store %arg12[%swap3A_261, %swap3A_262], %swap3A_265 {add = true, strides = array<i32>} : memref<128x128xf32, #tpu.memory_space<vmem>>, vector<1x16xf32>,
        %get3A_266 = arith.index_cast %scan3A_204 : i32 to index
        %get3A_267 = arith.constant 112 : index
        %get3A_268 = tpu.vector_load %arg9[%get3A_266, %get3A_267] {strides = array<i32>} : memref<128x128xf32, #tpu.memory_space<vmem>>, vector<1x16xf32>,
        %get3A_269 = vector.shape_cast %get3A_268 : vector<1x16xf32> to vector<16xf32>
        %swap3A_270 = arith.index_cast %scan3A_204 : i32 to index
        %swap3A_271 = arith.constant 112 : index
        %swap3A_272 = tpu.vector_load %arg12[%swap3A_270, %swap3A_271] {strides = array<i32>} : memref<128x128xf32, #tpu.memory_space<vmem>>, vector<1x16xf32>,
        %swap3A_273 = vector.shape_cast %swap3A_272 : vector<1x16xf32> to vector<16xf32>
        %swap3A_274 = vector.shape_cast %get3A_269 : vector<16xf32> to vector<1x16xf32>
        tpu.vector_store %arg12[%swap3A_270, %swap3A_271], %swap3A_274 {add = true, strides = array<i32>} : memref<128x128xf32, #tpu.memory_space<vmem>>, vector<1x16xf32>,
      }
      %scan3A_118 = arith.constant 128 : i32
      %mul3A_119 = arith.constant 128 : i32
      %mul3A_120 = arith.muli %add3A_100, %mul3A_119 : i32
      %add3A_121 = arith.addi %mul3A_2, %mul3A_120 : i32
      %dma_start3A_122 = arith.constant 0 : i32
      %dma_start3A_123 = tpu.memref_slice %arg6[%add3A_121, %dma_start3A_122] : memref<204800x128xf32, #tpu.memory_space<hbm>> -> memref<128x128xf32, #tpu.memory_space<hbm>>
      %dma_start3A_124 = arith.constant 0 : i32
      %dma_start3A_125 = tpu.memref_slice %arg6[%add3A_121, %dma_start3A_124] : memref<204800x128xf32, #tpu.memory_space<hbm>> -> memref<128x128xf32, #tpu.memory_space<hbm>>
      tpu.enqueue_dma source(%arg12 : memref<128x128xf32, #tpu.memory_space<vmem>>) target(%dma_start3A_125 : memref<128x128xf32, #tpu.memory_space<hbm>>) target_semaphore(%arg18 : memref<!tpu.dma_semaphore, #tpu.memory_space<semaphore_mem>>)
      %add3A_126 = arith.constant 0 : i32
      %add3A_127 = arith.addi %mul3A_98, %add3A_126 : i32
      %add3A_128 = arith.constant 3 : i32
      %add3A_129 = arith.addi %add3A_127, %add3A_128 : i32
      %lt3A = arith.constant 50 : i32
      %lt3A_130 = arith.cmpi slt, %add3A_129, %lt3A : i32
      %convert_element_type3A = arith.extui %lt3A_130 : i1 to i32
      %cond3A = arith.constant 0 : i32
      %cond3A_131 = arith.cmpi ne, %convert_element_type3A, %cond3A : i32
      scf.if %cond3A_131 {
        %dma_wait3A_204 = arith.constant 0 : i32
        %dma_wait3A_205 = tpu.memref_slice %arg6[%mul3A_2, %dma_wait3A_204] : memref<204800x128xf32, #tpu.memory_space<hbm>> -> memref<128x128xf32, #tpu.memory_space<hbm>>
        %dma_wait3A_206 = arith.constant 0 : i32
        %dma_wait3A_207 = tpu.memref_slice %arg6[%mul3A_2, %dma_wait3A_206] : memref<204800x128xf32, #tpu.memory_space<hbm>> -> memref<128x128xf32, #tpu.memory_space<hbm>>
        tpu.wait_dma2 semaphore(%arg18 : memref<!tpu.dma_semaphore, #tpu.memory_space<semaphore_mem>>) src(%arg12 : memref<128x128xf32, #tpu.memory_space<vmem>>) dst(%dma_wait3A_207 : memref<128x128xf32, #tpu.memory_space<hbm>>)
        %mul3A_208 = arith.constant 128 : i32
        %mul3A_209 = arith.muli %add3A_129, %mul3A_208 : i32
        %mul3A_210 = arith.constant 128 : i32
        %mul3A_211 = arith.muli %add3A_129, %mul3A_210 : i32
        %dma_start3A_212 = tpu.memref_slice %arg7[%mul3A_209] : memref<6400xi32, #tpu.memory_space<vmem>> -> memref<128xi32, #tpu.memory_space<vmem>>
        %dma_start3A_213 = arith.constant 0 : i32
        %dma_start3A_214 = arith.constant 0 : i32
        %dma_start3A_215 = tpu.memref_slice %arg2[%dma_start3A_213, %dma_start3A_214] : memref<100000x128xf32, #tpu.memory_space<hbm>> -> memref<100000x128xf32, #tpu.memory_space<hbm>>
        tpu.enqueue_indirect_dma source(%dma_start3A_215 : memref<100000x128xf32, #tpu.memory_space<hbm>>) target(%arg9 : memref<128x128xf32, #tpu.memory_space<vmem>>) offsets(%dma_start3A_212 : memref<128xi32, #tpu.memory_space<vmem>>) semaphore(%arg15 : memref<!tpu.dma_semaphore, #tpu.memory_space<semaphore_mem>>)
        %dma_start3A_216 = tpu.memref_slice %arg8[%mul3A_211] : memref<6400xi32, #tpu.memory_space<vmem>> -> memref<128xi32, #tpu.memory_space<vmem>>
        %dma_start3A_217 = arith.constant 0 : i32
        %dma_start3A_218 = arith.constant 0 : i32
        %dma_start3A_219 = tpu.memref_slice %arg5[%dma_start3A_217, %dma_start3A_218] : memref<600x128xf32, #tpu.memory_space<hbm>> -> memref<600x128xf32, #tpu.memory_space<hbm>>
        tpu.enqueue_indirect_dma source(%dma_start3A_219 : memref<600x128xf32, #tpu.memory_space<hbm>>) target(%arg12 : memref<128x128xf32, #tpu.memory_space<vmem>>) offsets(%dma_start3A_216 : memref<128xi32, #tpu.memory_space<vmem>>) semaphore(%arg15 : memref<!tpu.dma_semaphore, #tpu.memory_space<semaphore_mem>>)
      } else {
      }
      %add3A_132 = arith.constant 1 : i32
      %add3A_133 = arith.addi %mul3A_98, %add3A_132 : i32
      %dma_wait3A_134 = arith.constant 0 : i32
      %dma_wait3A_135 = arith.constant 0 : i32
      %dma_wait3A_136 = tpu.memref_slice %arg2[%dma_wait3A_134, %dma_wait3A_135] : memref<100000x128xf32, #tpu.memory_space<hbm>> -> memref<128x128xf32, #tpu.memory_space<hbm>>
      %dma_wait3A_137 = arith.constant 0 : i32
      %dma_wait3A_138 = arith.constant 0 : i32
      %dma_wait3A_139 = tpu.memref_slice %arg2[%dma_wait3A_137, %dma_wait3A_138] : memref<100000x128xf32, #tpu.memory_space<hbm>> -> memref<128x128xf32, #tpu.memory_space<hbm>>
      tpu.wait_dma2 semaphore(%arg16 : memref<!tpu.dma_semaphore, #tpu.memory_space<semaphore_mem>>) src(%dma_wait3A_139 : memref<128x128xf32, #tpu.memory_space<hbm>>) dst(%arg10 : memref<128x128xf32, #tpu.memory_space<vmem>>)
      %dma_wait3A_140 = arith.constant 0 : i32
      %dma_wait3A_141 = arith.constant 0 : i32
      %dma_wait3A_142 = tpu.memref_slice %arg2[%dma_wait3A_140, %dma_wait3A_141] : memref<100000x128xf32, #tpu.memory_space<hbm>> -> memref<128x128xf32, #tpu.memory_space<hbm>>
      %dma_wait3A_143 = arith.constant 0 : i32
      %dma_wait3A_144 = arith.constant 0 : i32
      %dma_wait3A_145 = tpu.memref_slice %arg2[%dma_wait3A_143, %dma_wait3A_144] : memref<100000x128xf32, #tpu.memory_space<hbm>> -> memref<128x128xf32, #tpu.memory_space<hbm>>
      tpu.wait_dma2 semaphore(%arg16 : memref<!tpu.dma_semaphore, #tpu.memory_space<semaphore_mem>>) src(%dma_wait3A_145 : memref<128x128xf32, #tpu.memory_space<hbm>>) dst(%arg13 : memref<128x128xf32, #tpu.memory_space<vmem>>)
      %scan3A_146 = arith.constant 0 : i32
      %scan3A_147 = arith.constant 0 : i32
      %scan3A_148 = arith.constant 128 : i32
      %scan3A_149 = arith.addi %scan3A_147, %scan3A_148 : i32
      %scan3A_150 = arith.constant 1 : i32
      scf.for %scan3A_204 = %scan3A_147 to %scan3A_149 step %scan3A_150  : i32 {
        %get3A = arith.index_cast %scan3A_204 : i32 to index
        %get3A_205 = arith.constant 0 : index
        %get3A_206 = tpu.vector_load %arg10[%get3A, %get3A_205] {strides = array<i32>} : memref<128x128xf32, #tpu.memory_space<vmem>>, vector<1x16xf32>,
        %get3A_207 = vector.shape_cast %get3A_206 : vector<1x16xf32> to vector<16xf32>
        %swap3A = arith.index_cast %scan3A_204 : i32 to index
        %swap3A_208 = arith.constant 0 : index
        %swap3A_209 = tpu.vector_load %arg13[%swap3A, %swap3A_208] {strides = array<i32>} : memref<128x128xf32, #tpu.memory_space<vmem>>, vector<1x16xf32>,
        %swap3A_210 = vector.shape_cast %swap3A_209 : vector<1x16xf32> to vector<16xf32>
        %swap3A_211 = vector.shape_cast %get3A_207 : vector<16xf32> to vector<1x16xf32>
        tpu.vector_store %arg13[%swap3A, %swap3A_208], %swap3A_211 {add = true, strides = array<i32>} : memref<128x128xf32, #tpu.memory_space<vmem>>, vector<1x16xf32>,
        %get3A_212 = arith.index_cast %scan3A_204 : i32 to index
        %get3A_213 = arith.constant 16 : index
        %get3A_214 = tpu.vector_load %arg10[%get3A_212, %get3A_213] {strides = array<i32>} : memref<128x128xf32, #tpu.memory_space<vmem>>, vector<1x16xf32>,
        %get3A_215 = vector.shape_cast %get3A_214 : vector<1x16xf32> to vector<16xf32>
        %swap3A_216 = arith.index_cast %scan3A_204 : i32 to index
        %swap3A_217 = arith.constant 16 : index
        %swap3A_218 = tpu.vector_load %arg13[%swap3A_216, %swap3A_217] {strides = array<i32>} : memref<128x128xf32, #tpu.memory_space<vmem>>, vector<1x16xf32>,
        %swap3A_219 = vector.shape_cast %swap3A_218 : vector<1x16xf32> to vector<16xf32>
        %swap3A_220 = vector.shape_cast %get3A_215 : vector<16xf32> to vector<1x16xf32>
        tpu.vector_store %arg13[%swap3A_216, %swap3A_217], %swap3A_220 {add = true, strides = array<i32>} : memref<128x128xf32, #tpu.memory_space<vmem>>, vector<1x16xf32>,
        %get3A_221 = arith.index_cast %scan3A_204 : i32 to index
        %get3A_222 = arith.constant 32 : index
        %get3A_223 = tpu.vector_load %arg10[%get3A_221, %get3A_222] {strides = array<i32>} : memref<128x128xf32, #tpu.memory_space<vmem>>, vector<1x16xf32>,
        %get3A_224 = vector.shape_cast %get3A_223 : vector<1x16xf32> to vector<16xf32>
        %swap3A_225 = arith.index_cast %scan3A_204 : i32 to index
        %swap3A_226 = arith.constant 32 : index
        %swap3A_227 = tpu.vector_load %arg13[%swap3A_225, %swap3A_226] {strides = array<i32>} : memref<128x128xf32, #tpu.memory_space<vmem>>, vector<1x16xf32>,
        %swap3A_228 = vector.shape_cast %swap3A_227 : vector<1x16xf32> to vector<16xf32>
        %swap3A_229 = vector.shape_cast %get3A_224 : vector<16xf32> to vector<1x16xf32>
        tpu.vector_store %arg13[%swap3A_225, %swap3A_226], %swap3A_229 {add = true, strides = array<i32>} : memref<128x128xf32, #tpu.memory_space<vmem>>, vector<1x16xf32>,
        %get3A_230 = arith.index_cast %scan3A_204 : i32 to index
        %get3A_231 = arith.constant 48 : index
        %get3A_232 = tpu.vector_load %arg10[%get3A_230, %get3A_231] {strides = array<i32>} : memref<128x128xf32, #tpu.memory_space<vmem>>, vector<1x16xf32>,
        %get3A_233 = vector.shape_cast %get3A_232 : vector<1x16xf32> to vector<16xf32>
        %swap3A_234 = arith.index_cast %scan3A_204 : i32 to index
        %swap3A_235 = arith.constant 48 : index
        %swap3A_236 = tpu.vector_load %arg13[%swap3A_234, %swap3A_235] {strides = array<i32>} : memref<128x128xf32, #tpu.memory_space<vmem>>, vector<1x16xf32>,
        %swap3A_237 = vector.shape_cast %swap3A_236 : vector<1x16xf32> to vector<16xf32>
        %swap3A_238 = vector.shape_cast %get3A_233 : vector<16xf32> to vector<1x16xf32>
        tpu.vector_store %arg13[%swap3A_234, %swap3A_235], %swap3A_238 {add = true, strides = array<i32>} : memref<128x128xf32, #tpu.memory_space<vmem>>, vector<1x16xf32>,
        %get3A_239 = arith.index_cast %scan3A_204 : i32 to index
        %get3A_240 = arith.constant 64 : index
        %get3A_241 = tpu.vector_load %arg10[%get3A_239, %get3A_240] {strides = array<i32>} : memref<128x128xf32, #tpu.memory_space<vmem>>, vector<1x16xf32>,
        %get3A_242 = vector.shape_cast %get3A_241 : vector<1x16xf32> to vector<16xf32>
        %swap3A_243 = arith.index_cast %scan3A_204 : i32 to index
        %swap3A_244 = arith.constant 64 : index
        %swap3A_245 = tpu.vector_load %arg13[%swap3A_243, %swap3A_244] {strides = array<i32>} : memref<128x128xf32, #tpu.memory_space<vmem>>, vector<1x16xf32>,
        %swap3A_246 = vector.shape_cast %swap3A_245 : vector<1x16xf32> to vector<16xf32>
        %swap3A_247 = vector.shape_cast %get3A_242 : vector<16xf32> to vector<1x16xf32>
        tpu.vector_store %arg13[%swap3A_243, %swap3A_244], %swap3A_247 {add = true, strides = array<i32>} : memref<128x128xf32, #tpu.memory_space<vmem>>, vector<1x16xf32>,
        %get3A_248 = arith.index_cast %scan3A_204 : i32 to index
        %get3A_249 = arith.constant 80 : index
        %get3A_250 = tpu.vector_load %arg10[%get3A_248, %get3A_249] {strides = array<i32>} : memref<128x128xf32, #tpu.memory_space<vmem>>, vector<1x16xf32>,
        %get3A_251 = vector.shape_cast %get3A_250 : vector<1x16xf32> to vector<16xf32>
        %swap3A_252 = arith.index_cast %scan3A_204 : i32 to index
        %swap3A_253 = arith.constant 80 : index
        %swap3A_254 = tpu.vector_load %arg13[%swap3A_252, %swap3A_253] {strides = array<i32>} : memref<128x128xf32, #tpu.memory_space<vmem>>, vector<1x16xf32>,
        %swap3A_255 = vector.shape_cast %swap3A_254 : vector<1x16xf32> to vector<16xf32>
        %swap3A_256 = vector.shape_cast %get3A_251 : vector<16xf32> to vector<1x16xf32>
        tpu.vector_store %arg13[%swap3A_252, %swap3A_253], %swap3A_256 {add = true, strides = array<i32>} : memref<128x128xf32, #tpu.memory_space<vmem>>, vector<1x16xf32>,
        %get3A_257 = arith.index_cast %scan3A_204 : i32 to index
        %get3A_258 = arith.constant 96 : index
        %get3A_259 = tpu.vector_load %arg10[%get3A_257, %get3A_258] {strides = array<i32>} : memref<128x128xf32, #tpu.memory_space<vmem>>, vector<1x16xf32>,
        %get3A_260 = vector.shape_cast %get3A_259 : vector<1x16xf32> to vector<16xf32>
        %swap3A_261 = arith.index_cast %scan3A_204 : i32 to index
        %swap3A_262 = arith.constant 96 : index
        %swap3A_263 = tpu.vector_load %arg13[%swap3A_261, %swap3A_262] {strides = array<i32>} : memref<128x128xf32, #tpu.memory_space<vmem>>, vector<1x16xf32>,
        %swap3A_264 = vector.shape_cast %swap3A_263 : vector<1x16xf32> to vector<16xf32>
        %swap3A_265 = vector.shape_cast %get3A_260 : vector<16xf32> to vector<1x16xf32>
        tpu.vector_store %arg13[%swap3A_261, %swap3A_262], %swap3A_265 {add = true, strides = array<i32>} : memref<128x128xf32, #tpu.memory_space<vmem>>, vector<1x16xf32>,
        %get3A_266 = arith.index_cast %scan3A_204 : i32 to index
        %get3A_267 = arith.constant 112 : index
        %get3A_268 = tpu.vector_load %arg10[%get3A_266, %get3A_267] {strides = array<i32>} : memref<128x128xf32, #tpu.memory_space<vmem>>, vector<1x16xf32>,
        %get3A_269 = vector.shape_cast %get3A_268 : vector<1x16xf32> to vector<16xf32>
        %swap3A_270 = arith.index_cast %scan3A_204 : i32 to index
        %swap3A_271 = arith.constant 112 : index
        %swap3A_272 = tpu.vector_load %arg13[%swap3A_270, %swap3A_271] {strides = array<i32>} : memref<128x128xf32, #tpu.memory_space<vmem>>, vector<1x16xf32>,
        %swap3A_273 = vector.shape_cast %swap3A_272 : vector<1x16xf32> to vector<16xf32>
        %swap3A_274 = vector.shape_cast %get3A_269 : vector<16xf32> to vector<1x16xf32>
        tpu.vector_store %arg13[%swap3A_270, %swap3A_271], %swap3A_274 {add = true, strides = array<i32>} : memref<128x128xf32, #tpu.memory_space<vmem>>, vector<1x16xf32>,
      }
      %scan3A_151 = arith.constant 128 : i32
      %mul3A_152 = arith.constant 128 : i32
      %mul3A_153 = arith.muli %add3A_133, %mul3A_152 : i32
      %add3A_154 = arith.addi %mul3A_2, %mul3A_153 : i32
      %dma_start3A_155 = arith.constant 0 : i32
      %dma_start3A_156 = tpu.memref_slice %arg6[%add3A_154, %dma_start3A_155] : memref<204800x128xf32, #tpu.memory_space<hbm>> -> memref<128x128xf32, #tpu.memory_space<hbm>>
      %dma_start3A_157 = arith.constant 0 : i32
      %dma_start3A_158 = tpu.memref_slice %arg6[%add3A_154, %dma_start3A_157] : memref<204800x128xf32, #tpu.memory_space<hbm>> -> memref<128x128xf32, #tpu.memory_space<hbm>>
      tpu.enqueue_dma source(%arg13 : memref<128x128xf32, #tpu.memory_space<vmem>>) target(%dma_start3A_158 : memref<128x128xf32, #tpu.memory_space<hbm>>) target_semaphore(%arg19 : memref<!tpu.dma_semaphore, #tpu.memory_space<semaphore_mem>>)
      %add3A_159 = arith.constant 1 : i32
      %add3A_160 = arith.addi %mul3A_98, %add3A_159 : i32
      %add3A_161 = arith.constant 3 : i32
      %add3A_162 = arith.addi %add3A_160, %add3A_161 : i32
      %lt3A_163 = arith.constant 50 : i32
      %lt3A_164 = arith.cmpi slt, %add3A_162, %lt3A_163 : i32
      %convert_element_type3A_165 = arith.extui %lt3A_164 : i1 to i32
      %cond3A_166 = arith.constant 0 : i32
      %cond3A_167 = arith.cmpi ne, %convert_element_type3A_165, %cond3A_166 : i32
      scf.if %cond3A_167 {
        %dma_wait3A_204 = arith.constant 0 : i32
        %dma_wait3A_205 = tpu.memref_slice %arg6[%mul3A_2, %dma_wait3A_204] : memref<204800x128xf32, #tpu.memory_space<hbm>> -> memref<128x128xf32, #tpu.memory_space<hbm>>
        %dma_wait3A_206 = arith.constant 0 : i32
        %dma_wait3A_207 = tpu.memref_slice %arg6[%mul3A_2, %dma_wait3A_206] : memref<204800x128xf32, #tpu.memory_space<hbm>> -> memref<128x128xf32, #tpu.memory_space<hbm>>
        tpu.wait_dma2 semaphore(%arg19 : memref<!tpu.dma_semaphore, #tpu.memory_space<semaphore_mem>>) src(%arg13 : memref<128x128xf32, #tpu.memory_space<vmem>>) dst(%dma_wait3A_207 : memref<128x128xf32, #tpu.memory_space<hbm>>)
        %mul3A_208 = arith.constant 128 : i32
        %mul3A_209 = arith.muli %add3A_162, %mul3A_208 : i32
        %mul3A_210 = arith.constant 128 : i32
        %mul3A_211 = arith.muli %add3A_162, %mul3A_210 : i32
        %dma_start3A_212 = tpu.memref_slice %arg7[%mul3A_209] : memref<6400xi32, #tpu.memory_space<vmem>> -> memref<128xi32, #tpu.memory_space<vmem>>
        %dma_start3A_213 = arith.constant 0 : i32
        %dma_start3A_214 = arith.constant 0 : i32
        %dma_start3A_215 = tpu.memref_slice %arg2[%dma_start3A_213, %dma_start3A_214] : memref<100000x128xf32, #tpu.memory_space<hbm>> -> memref<100000x128xf32, #tpu.memory_space<hbm>>
        tpu.enqueue_indirect_dma source(%dma_start3A_215 : memref<100000x128xf32, #tpu.memory_space<hbm>>) target(%arg10 : memref<128x128xf32, #tpu.memory_space<vmem>>) offsets(%dma_start3A_212 : memref<128xi32, #tpu.memory_space<vmem>>) semaphore(%arg16 : memref<!tpu.dma_semaphore, #tpu.memory_space<semaphore_mem>>)
        %dma_start3A_216 = tpu.memref_slice %arg8[%mul3A_211] : memref<6400xi32, #tpu.memory_space<vmem>> -> memref<128xi32, #tpu.memory_space<vmem>>
        %dma_start3A_217 = arith.constant 0 : i32
        %dma_start3A_218 = arith.constant 0 : i32
        %dma_start3A_219 = tpu.memref_slice %arg5[%dma_start3A_217, %dma_start3A_218] : memref<600x128xf32, #tpu.memory_space<hbm>> -> memref<600x128xf32, #tpu.memory_space<hbm>>
        tpu.enqueue_indirect_dma source(%dma_start3A_219 : memref<600x128xf32, #tpu.memory_space<hbm>>) target(%arg13 : memref<128x128xf32, #tpu.memory_space<vmem>>) offsets(%dma_start3A_216 : memref<128xi32, #tpu.memory_space<vmem>>) semaphore(%arg16 : memref<!tpu.dma_semaphore, #tpu.memory_space<semaphore_mem>>)
      } else {
      }
      %add3A_168 = arith.constant 2 : i32
      %add3A_169 = arith.addi %mul3A_98, %add3A_168 : i32
      %dma_wait3A_170 = arith.constant 0 : i32
      %dma_wait3A_171 = arith.constant 0 : i32
      %dma_wait3A_172 = tpu.memref_slice %arg2[%dma_wait3A_170, %dma_wait3A_171] : memref<100000x128xf32, #tpu.memory_space<hbm>> -> memref<128x128xf32, #tpu.memory_space<hbm>>
      %dma_wait3A_173 = arith.constant 0 : i32
      %dma_wait3A_174 = arith.constant 0 : i32
      %dma_wait3A_175 = tpu.memref_slice %arg2[%dma_wait3A_173, %dma_wait3A_174] : memref<100000x128xf32, #tpu.memory_space<hbm>> -> memref<128x128xf32, #tpu.memory_space<hbm>>
      tpu.wait_dma2 semaphore(%arg17 : memref<!tpu.dma_semaphore, #tpu.memory_space<semaphore_mem>>) src(%dma_wait3A_175 : memref<128x128xf32, #tpu.memory_space<hbm>>) dst(%arg11 : memref<128x128xf32, #tpu.memory_space<vmem>>)
      %dma_wait3A_176 = arith.constant 0 : i32
      %dma_wait3A_177 = arith.constant 0 : i32
      %dma_wait3A_178 = tpu.memref_slice %arg2[%dma_wait3A_176, %dma_wait3A_177] : memref<100000x128xf32, #tpu.memory_space<hbm>> -> memref<128x128xf32, #tpu.memory_space<hbm>>
      %dma_wait3A_179 = arith.constant 0 : i32
      %dma_wait3A_180 = arith.constant 0 : i32
      %dma_wait3A_181 = tpu.memref_slice %arg2[%dma_wait3A_179, %dma_wait3A_180] : memref<100000x128xf32, #tpu.memory_space<hbm>> -> memref<128x128xf32, #tpu.memory_space<hbm>>
      tpu.wait_dma2 semaphore(%arg17 : memref<!tpu.dma_semaphore, #tpu.memory_space<semaphore_mem>>) src(%dma_wait3A_181 : memref<128x128xf32, #tpu.memory_space<hbm>>) dst(%arg14 : memref<128x128xf32, #tpu.memory_space<vmem>>)
      %scan3A_182 = arith.constant 0 : i32
      %scan3A_183 = arith.constant 0 : i32
      %scan3A_184 = arith.constant 128 : i32
      %scan3A_185 = arith.addi %scan3A_183, %scan3A_184 : i32
      %scan3A_186 = arith.constant 1 : i32
      scf.for %scan3A_204 = %scan3A_183 to %scan3A_185 step %scan3A_186  : i32 {
        %get3A = arith.index_cast %scan3A_204 : i32 to index
        %get3A_205 = arith.constant 0 : index
        %get3A_206 = tpu.vector_load %arg11[%get3A, %get3A_205] {strides = array<i32>} : memref<128x128xf32, #tpu.memory_space<vmem>>, vector<1x16xf32>,
        %get3A_207 = vector.shape_cast %get3A_206 : vector<1x16xf32> to vector<16xf32>
        %swap3A = arith.index_cast %scan3A_204 : i32 to index
        %swap3A_208 = arith.constant 0 : index
        %swap3A_209 = tpu.vector_load %arg14[%swap3A, %swap3A_208] {strides = array<i32>} : memref<128x128xf32, #tpu.memory_space<vmem>>, vector<1x16xf32>,
        %swap3A_210 = vector.shape_cast %swap3A_209 : vector<1x16xf32> to vector<16xf32>
        %swap3A_211 = vector.shape_cast %get3A_207 : vector<16xf32> to vector<1x16xf32>
        tpu.vector_store %arg14[%swap3A, %swap3A_208], %swap3A_211 {add = true, strides = array<i32>} : memref<128x128xf32, #tpu.memory_space<vmem>>, vector<1x16xf32>,
        %get3A_212 = arith.index_cast %scan3A_204 : i32 to index
        %get3A_213 = arith.constant 16 : index
        %get3A_214 = tpu.vector_load %arg11[%get3A_212, %get3A_213] {strides = array<i32>} : memref<128x128xf32, #tpu.memory_space<vmem>>, vector<1x16xf32>,
        %get3A_215 = vector.shape_cast %get3A_214 : vector<1x16xf32> to vector<16xf32>
        %swap3A_216 = arith.index_cast %scan3A_204 : i32 to index
        %swap3A_217 = arith.constant 16 : index
        %swap3A_218 = tpu.vector_load %arg14[%swap3A_216, %swap3A_217] {strides = array<i32>} : memref<128x128xf32, #tpu.memory_space<vmem>>, vector<1x16xf32>,
        %swap3A_219 = vector.shape_cast %swap3A_218 : vector<1x16xf32> to vector<16xf32>
        %swap3A_220 = vector.shape_cast %get3A_215 : vector<16xf32> to vector<1x16xf32>
        tpu.vector_store %arg14[%swap3A_216, %swap3A_217], %swap3A_220 {add = true, strides = array<i32>} : memref<128x128xf32, #tpu.memory_space<vmem>>, vector<1x16xf32>,
        %get3A_221 = arith.index_cast %scan3A_204 : i32 to index
        %get3A_222 = arith.constant 32 : index
        %get3A_223 = tpu.vector_load %arg11[%get3A_221, %get3A_222] {strides = array<i32>} : memref<128x128xf32, #tpu.memory_space<vmem>>, vector<1x16xf32>,
        %get3A_224 = vector.shape_cast %get3A_223 : vector<1x16xf32> to vector<16xf32>
        %swap3A_225 = arith.index_cast %scan3A_204 : i32 to index
        %swap3A_226 = arith.constant 32 : index
        %swap3A_227 = tpu.vector_load %arg14[%swap3A_225, %swap3A_226] {strides = array<i32>} : memref<128x128xf32, #tpu.memory_space<vmem>>, vector<1x16xf32>,
        %swap3A_228 = vector.shape_cast %swap3A_227 : vector<1x16xf32> to vector<16xf32>
        %swap3A_229 = vector.shape_cast %get3A_224 : vector<16xf32> to vector<1x16xf32>
        tpu.vector_store %arg14[%swap3A_225, %swap3A_226], %swap3A_229 {add = true, strides = array<i32>} : memref<128x128xf32, #tpu.memory_space<vmem>>, vector<1x16xf32>,
        %get3A_230 = arith.index_cast %scan3A_204 : i32 to index
        %get3A_231 = arith.constant 48 : index
        %get3A_232 = tpu.vector_load %arg11[%get3A_230, %get3A_231] {strides = array<i32>} : memref<128x128xf32, #tpu.memory_space<vmem>>, vector<1x16xf32>,
        %get3A_233 = vector.shape_cast %get3A_232 : vector<1x16xf32> to vector<16xf32>
        %swap3A_234 = arith.index_cast %scan3A_204 : i32 to index
        %swap3A_235 = arith.constant 48 : index
        %swap3A_236 = tpu.vector_load %arg14[%swap3A_234, %swap3A_235] {strides = array<i32>} : memref<128x128xf32, #tpu.memory_space<vmem>>, vector<1x16xf32>,
        %swap3A_237 = vector.shape_cast %swap3A_236 : vector<1x16xf32> to vector<16xf32>
        %swap3A_238 = vector.shape_cast %get3A_233 : vector<16xf32> to vector<1x16xf32>
        tpu.vector_store %arg14[%swap3A_234, %swap3A_235], %swap3A_238 {add = true, strides = array<i32>} : memref<128x128xf32, #tpu.memory_space<vmem>>, vector<1x16xf32>,
        %get3A_239 = arith.index_cast %scan3A_204 : i32 to index
        %get3A_240 = arith.constant 64 : index
        %get3A_241 = tpu.vector_load %arg11[%get3A_239, %get3A_240] {strides = array<i32>} : memref<128x128xf32, #tpu.memory_space<vmem>>, vector<1x16xf32>,
        %get3A_242 = vector.shape_cast %get3A_241 : vector<1x16xf32> to vector<16xf32>
        %swap3A_243 = arith.index_cast %scan3A_204 : i32 to index
        %swap3A_244 = arith.constant 64 : index
        %swap3A_245 = tpu.vector_load %arg14[%swap3A_243, %swap3A_244] {strides = array<i32>} : memref<128x128xf32, #tpu.memory_space<vmem>>, vector<1x16xf32>,
        %swap3A_246 = vector.shape_cast %swap3A_245 : vector<1x16xf32> to vector<16xf32>
        %swap3A_247 = vector.shape_cast %get3A_242 : vector<16xf32> to vector<1x16xf32>
        tpu.vector_store %arg14[%swap3A_243, %swap3A_244], %swap3A_247 {add = true, strides = array<i32>} : memref<128x128xf32, #tpu.memory_space<vmem>>, vector<1x16xf32>,
        %get3A_248 = arith.index_cast %scan3A_204 : i32 to index
        %get3A_249 = arith.constant 80 : index
        %get3A_250 = tpu.vector_load %arg11[%get3A_248, %get3A_249] {strides = array<i32>} : memref<128x128xf32, #tpu.memory_space<vmem>>, vector<1x16xf32>,
        %get3A_251 = vector.shape_cast %get3A_250 : vector<1x16xf32> to vector<16xf32>
        %swap3A_252 = arith.index_cast %scan3A_204 : i32 to index
        %swap3A_253 = arith.constant 80 : index
        %swap3A_254 = tpu.vector_load %arg14[%swap3A_252, %swap3A_253] {strides = array<i32>} : memref<128x128xf32, #tpu.memory_space<vmem>>, vector<1x16xf32>,
        %swap3A_255 = vector.shape_cast %swap3A_254 : vector<1x16xf32> to vector<16xf32>
        %swap3A_256 = vector.shape_cast %get3A_251 : vector<16xf32> to vector<1x16xf32>
        tpu.vector_store %arg14[%swap3A_252, %swap3A_253], %swap3A_256 {add = true, strides = array<i32>} : memref<128x128xf32, #tpu.memory_space<vmem>>, vector<1x16xf32>,
        %get3A_257 = arith.index_cast %scan3A_204 : i32 to index
        %get3A_258 = arith.constant 96 : index
        %get3A_259 = tpu.vector_load %arg11[%get3A_257, %get3A_258] {strides = array<i32>} : memref<128x128xf32, #tpu.memory_space<vmem>>, vector<1x16xf32>,
        %get3A_260 = vector.shape_cast %get3A_259 : vector<1x16xf32> to vector<16xf32>
        %swap3A_261 = arith.index_cast %scan3A_204 : i32 to index
        %swap3A_262 = arith.constant 96 : index
        %swap3A_263 = tpu.vector_load %arg14[%swap3A_261, %swap3A_262] {strides = array<i32>} : memref<128x128xf32, #tpu.memory_space<vmem>>, vector<1x16xf32>,
        %swap3A_264 = vector.shape_cast %swap3A_263 : vector<1x16xf32> to vector<16xf32>
        %swap3A_265 = vector.shape_cast %get3A_260 : vector<16xf32> to vector<1x16xf32>
        tpu.vector_store %arg14[%swap3A_261, %swap3A_262], %swap3A_265 {add = true, strides = array<i32>} : memref<128x128xf32, #tpu.memory_space<vmem>>, vector<1x16xf32>,
        %get3A_266 = arith.index_cast %scan3A_204 : i32 to index
        %get3A_267 = arith.constant 112 : index
        %get3A_268 = tpu.vector_load %arg11[%get3A_266, %get3A_267] {strides = array<i32>} : memref<128x128xf32, #tpu.memory_space<vmem>>, vector<1x16xf32>,
        %get3A_269 = vector.shape_cast %get3A_268 : vector<1x16xf32> to vector<16xf32>
        %swap3A_270 = arith.index_cast %scan3A_204 : i32 to index
        %swap3A_271 = arith.constant 112 : index
        %swap3A_272 = tpu.vector_load %arg14[%swap3A_270, %swap3A_271] {strides = array<i32>} : memref<128x128xf32, #tpu.memory_space<vmem>>, vector<1x16xf32>,
        %swap3A_273 = vector.shape_cast %swap3A_272 : vector<1x16xf32> to vector<16xf32>
        %swap3A_274 = vector.shape_cast %get3A_269 : vector<16xf32> to vector<1x16xf32>
        tpu.vector_store %arg14[%swap3A_270, %swap3A_271], %swap3A_274 {add = true, strides = array<i32>} : memref<128x128xf32, #tpu.memory_space<vmem>>, vector<1x16xf32>,
      }
      %scan3A_187 = arith.constant 128 : i32
      %mul3A_188 = arith.constant 128 : i32
      %mul3A_189 = arith.muli %add3A_169, %mul3A_188 : i32
      %add3A_190 = arith.addi %mul3A_2, %mul3A_189 : i32
      %dma_start3A_191 = arith.constant 0 : i32
      %dma_start3A_192 = tpu.memref_slice %arg6[%add3A_190, %dma_start3A_191] : memref<204800x128xf32, #tpu.memory_space<hbm>> -> memref<128x128xf32, #tpu.memory_space<hbm>>
      %dma_start3A_193 = arith.constant 0 : i32
      %dma_start3A_194 = tpu.memref_slice %arg6[%add3A_190, %dma_start3A_193] : memref<204800x128xf32, #tpu.memory_space<hbm>> -> memref<128x128xf32, #tpu.memory_space<hbm>>
      tpu.enqueue_dma source(%arg14 : memref<128x128xf32, #tpu.memory_space<vmem>>) target(%dma_start3A_194 : memref<128x128xf32, #tpu.memory_space<hbm>>) target_semaphore(%arg20 : memref<!tpu.dma_semaphore, #tpu.memory_space<semaphore_mem>>)
      %add3A_195 = arith.constant 2 : i32
      %add3A_196 = arith.addi %mul3A_98, %add3A_195 : i32
      %add3A_197 = arith.constant 3 : i32
      %add3A_198 = arith.addi %add3A_196, %add3A_197 : i32
      %lt3A_199 = arith.constant 50 : i32
      %lt3A_200 = arith.cmpi slt, %add3A_198, %lt3A_199 : i32
      %convert_element_type3A_201 = arith.extui %lt3A_200 : i1 to i32
      %cond3A_202 = arith.constant 0 : i32
      %cond3A_203 = arith.cmpi ne, %convert_element_type3A_201, %cond3A_202 : i32
      scf.if %cond3A_203 {
        %dma_wait3A_204 = arith.constant 0 : i32
        %dma_wait3A_205 = tpu.memref_slice %arg6[%mul3A_2, %dma_wait3A_204] : memref<204800x128xf32, #tpu.memory_space<hbm>> -> memref<128x128xf32, #tpu.memory_space<hbm>>
        %dma_wait3A_206 = arith.constant 0 : i32
        %dma_wait3A_207 = tpu.memref_slice %arg6[%mul3A_2, %dma_wait3A_206] : memref<204800x128xf32, #tpu.memory_space<hbm>> -> memref<128x128xf32, #tpu.memory_space<hbm>>
        tpu.wait_dma2 semaphore(%arg20 : memref<!tpu.dma_semaphore, #tpu.memory_space<semaphore_mem>>) src(%arg14 : memref<128x128xf32, #tpu.memory_space<vmem>>) dst(%dma_wait3A_207 : memref<128x128xf32, #tpu.memory_space<hbm>>)
        %mul3A_208 = arith.constant 128 : i32
        %mul3A_209 = arith.muli %add3A_198, %mul3A_208 : i32
        %mul3A_210 = arith.constant 128 : i32
        %mul3A_211 = arith.muli %add3A_198, %mul3A_210 : i32
        %dma_start3A_212 = tpu.memref_slice %arg7[%mul3A_209] : memref<6400xi32, #tpu.memory_space<vmem>> -> memref<128xi32, #tpu.memory_space<vmem>>
        %dma_start3A_213 = arith.constant 0 : i32
        %dma_start3A_214 = arith.constant 0 : i32
        %dma_start3A_215 = tpu.memref_slice %arg2[%dma_start3A_213, %dma_start3A_214] : memref<100000x128xf32, #tpu.memory_space<hbm>> -> memref<100000x128xf32, #tpu.memory_space<hbm>>
        tpu.enqueue_indirect_dma source(%dma_start3A_215 : memref<100000x128xf32, #tpu.memory_space<hbm>>) target(%arg11 : memref<128x128xf32, #tpu.memory_space<vmem>>) offsets(%dma_start3A_212 : memref<128xi32, #tpu.memory_space<vmem>>) semaphore(%arg17 : memref<!tpu.dma_semaphore, #tpu.memory_space<semaphore_mem>>)
        %dma_start3A_216 = tpu.memref_slice %arg8[%mul3A_211] : memref<6400xi32, #tpu.memory_space<vmem>> -> memref<128xi32, #tpu.memory_space<vmem>>
        %dma_start3A_217 = arith.constant 0 : i32
        %dma_start3A_218 = arith.constant 0 : i32
        %dma_start3A_219 = tpu.memref_slice %arg5[%dma_start3A_217, %dma_start3A_218] : memref<600x128xf32, #tpu.memory_space<hbm>> -> memref<600x128xf32, #tpu.memory_space<hbm>>
        tpu.enqueue_indirect_dma source(%dma_start3A_219 : memref<600x128xf32, #tpu.memory_space<hbm>>) target(%arg14 : memref<128x128xf32, #tpu.memory_space<vmem>>) offsets(%dma_start3A_216 : memref<128xi32, #tpu.memory_space<vmem>>) semaphore(%arg17 : memref<!tpu.dma_semaphore, #tpu.memory_space<semaphore_mem>>)
      } else {
      }
    }
    %scan3A_36 = arith.constant 16 : i32
    %dma_wait3A = arith.constant 0 : i32
    %dma_wait3A_37 = arith.constant 0 : i32
    %dma_wait3A_38 = tpu.memref_slice %arg2[%dma_wait3A, %dma_wait3A_37] : memref<100000x128xf32, #tpu.memory_space<hbm>> -> memref<128x128xf32, #tpu.memory_space<hbm>>
    %dma_wait3A_39 = arith.constant 0 : i32
    %dma_wait3A_40 = arith.constant 0 : i32
    %dma_wait3A_41 = tpu.memref_slice %arg2[%dma_wait3A_39, %dma_wait3A_40] : memref<100000x128xf32, #tpu.memory_space<hbm>> -> memref<128x128xf32, #tpu.memory_space<hbm>>
    tpu.wait_dma2 semaphore(%arg15 : memref<!tpu.dma_semaphore, #tpu.memory_space<semaphore_mem>>) src(%dma_wait3A_41 : memref<128x128xf32, #tpu.memory_space<hbm>>) dst(%arg9 : memref<128x128xf32, #tpu.memory_space<vmem>>)
    %dma_wait3A_42 = arith.constant 0 : i32
    %dma_wait3A_43 = arith.constant 0 : i32
    %dma_wait3A_44 = tpu.memref_slice %arg2[%dma_wait3A_42, %dma_wait3A_43] : memref<100000x128xf32, #tpu.memory_space<hbm>> -> memref<128x128xf32, #tpu.memory_space<hbm>>
    %dma_wait3A_45 = arith.constant 0 : i32
    %dma_wait3A_46 = arith.constant 0 : i32
    %dma_wait3A_47 = tpu.memref_slice %arg2[%dma_wait3A_45, %dma_wait3A_46] : memref<100000x128xf32, #tpu.memory_space<hbm>> -> memref<128x128xf32, #tpu.memory_space<hbm>>
    tpu.wait_dma2 semaphore(%arg15 : memref<!tpu.dma_semaphore, #tpu.memory_space<semaphore_mem>>) src(%dma_wait3A_47 : memref<128x128xf32, #tpu.memory_space<hbm>>) dst(%arg12 : memref<128x128xf32, #tpu.memory_space<vmem>>)
    %scan3A_48 = arith.constant 0 : i32
    %scan3A_49 = arith.constant 0 : i32
    %scan3A_50 = arith.constant 128 : i32
    %scan3A_51 = arith.addi %scan3A_49, %scan3A_50 : i32
    %scan3A_52 = arith.constant 1 : i32
    scf.for %scan3A_96 = %scan3A_49 to %scan3A_51 step %scan3A_52  : i32 {
      %get3A = arith.index_cast %scan3A_96 : i32 to index
      %get3A_97 = arith.constant 0 : index
      %get3A_98 = tpu.vector_load %arg9[%get3A, %get3A_97] {strides = array<i32>} : memref<128x128xf32, #tpu.memory_space<vmem>>, vector<1x16xf32>,
      %get3A_99 = vector.shape_cast %get3A_98 : vector<1x16xf32> to vector<16xf32>
      %swap3A = arith.index_cast %scan3A_96 : i32 to index
      %swap3A_100 = arith.constant 0 : index
      %swap3A_101 = tpu.vector_load %arg12[%swap3A, %swap3A_100] {strides = array<i32>} : memref<128x128xf32, #tpu.memory_space<vmem>>, vector<1x16xf32>,
      %swap3A_102 = vector.shape_cast %swap3A_101 : vector<1x16xf32> to vector<16xf32>
      %swap3A_103 = vector.shape_cast %get3A_99 : vector<16xf32> to vector<1x16xf32>
      tpu.vector_store %arg12[%swap3A, %swap3A_100], %swap3A_103 {add = true, strides = array<i32>} : memref<128x128xf32, #tpu.memory_space<vmem>>, vector<1x16xf32>,
      %get3A_104 = arith.index_cast %scan3A_96 : i32 to index
      %get3A_105 = arith.constant 16 : index
      %get3A_106 = tpu.vector_load %arg9[%get3A_104, %get3A_105] {strides = array<i32>} : memref<128x128xf32, #tpu.memory_space<vmem>>, vector<1x16xf32>,
      %get3A_107 = vector.shape_cast %get3A_106 : vector<1x16xf32> to vector<16xf32>
      %swap3A_108 = arith.index_cast %scan3A_96 : i32 to index
      %swap3A_109 = arith.constant 16 : index
      %swap3A_110 = tpu.vector_load %arg12[%swap3A_108, %swap3A_109] {strides = array<i32>} : memref<128x128xf32, #tpu.memory_space<vmem>>, vector<1x16xf32>,
      %swap3A_111 = vector.shape_cast %swap3A_110 : vector<1x16xf32> to vector<16xf32>
      %swap3A_112 = vector.shape_cast %get3A_107 : vector<16xf32> to vector<1x16xf32>
      tpu.vector_store %arg12[%swap3A_108, %swap3A_109], %swap3A_112 {add = true, strides = array<i32>} : memref<128x128xf32, #tpu.memory_space<vmem>>, vector<1x16xf32>,
      %get3A_113 = arith.index_cast %scan3A_96 : i32 to index
      %get3A_114 = arith.constant 32 : index
      %get3A_115 = tpu.vector_load %arg9[%get3A_113, %get3A_114] {strides = array<i32>} : memref<128x128xf32, #tpu.memory_space<vmem>>, vector<1x16xf32>,
      %get3A_116 = vector.shape_cast %get3A_115 : vector<1x16xf32> to vector<16xf32>
      %swap3A_117 = arith.index_cast %scan3A_96 : i32 to index
      %swap3A_118 = arith.constant 32 : index
      %swap3A_119 = tpu.vector_load %arg12[%swap3A_117, %swap3A_118] {strides = array<i32>} : memref<128x128xf32, #tpu.memory_space<vmem>>, vector<1x16xf32>,
      %swap3A_120 = vector.shape_cast %swap3A_119 : vector<1x16xf32> to vector<16xf32>
      %swap3A_121 = vector.shape_cast %get3A_116 : vector<16xf32> to vector<1x16xf32>
      tpu.vector_store %arg12[%swap3A_117, %swap3A_118], %swap3A_121 {add = true, strides = array<i32>} : memref<128x128xf32, #tpu.memory_space<vmem>>, vector<1x16xf32>,
      %get3A_122 = arith.index_cast %scan3A_96 : i32 to index
      %get3A_123 = arith.constant 48 : index
      %get3A_124 = tpu.vector_load %arg9[%get3A_122, %get3A_123] {strides = array<i32>} : memref<128x128xf32, #tpu.memory_space<vmem>>, vector<1x16xf32>,
      %get3A_125 = vector.shape_cast %get3A_124 : vector<1x16xf32> to vector<16xf32>
      %swap3A_126 = arith.index_cast %scan3A_96 : i32 to index
      %swap3A_127 = arith.constant 48 : index
      %swap3A_128 = tpu.vector_load %arg12[%swap3A_126, %swap3A_127] {strides = array<i32>} : memref<128x128xf32, #tpu.memory_space<vmem>>, vector<1x16xf32>,
      %swap3A_129 = vector.shape_cast %swap3A_128 : vector<1x16xf32> to vector<16xf32>
      %swap3A_130 = vector.shape_cast %get3A_125 : vector<16xf32> to vector<1x16xf32>
      tpu.vector_store %arg12[%swap3A_126, %swap3A_127], %swap3A_130 {add = true, strides = array<i32>} : memref<128x128xf32, #tpu.memory_space<vmem>>, vector<1x16xf32>,
      %get3A_131 = arith.index_cast %scan3A_96 : i32 to index
      %get3A_132 = arith.constant 64 : index
      %get3A_133 = tpu.vector_load %arg9[%get3A_131, %get3A_132] {strides = array<i32>} : memref<128x128xf32, #tpu.memory_space<vmem>>, vector<1x16xf32>,
      %get3A_134 = vector.shape_cast %get3A_133 : vector<1x16xf32> to vector<16xf32>
      %swap3A_135 = arith.index_cast %scan3A_96 : i32 to index
      %swap3A_136 = arith.constant 64 : index
      %swap3A_137 = tpu.vector_load %arg12[%swap3A_135, %swap3A_136] {strides = array<i32>} : memref<128x128xf32, #tpu.memory_space<vmem>>, vector<1x16xf32>,
      %swap3A_138 = vector.shape_cast %swap3A_137 : vector<1x16xf32> to vector<16xf32>
      %swap3A_139 = vector.shape_cast %get3A_134 : vector<16xf32> to vector<1x16xf32>
      tpu.vector_store %arg12[%swap3A_135, %swap3A_136], %swap3A_139 {add = true, strides = array<i32>} : memref<128x128xf32, #tpu.memory_space<vmem>>, vector<1x16xf32>,
      %get3A_140 = arith.index_cast %scan3A_96 : i32 to index
      %get3A_141 = arith.constant 80 : index
      %get3A_142 = tpu.vector_load %arg9[%get3A_140, %get3A_141] {strides = array<i32>} : memref<128x128xf32, #tpu.memory_space<vmem>>, vector<1x16xf32>,
      %get3A_143 = vector.shape_cast %get3A_142 : vector<1x16xf32> to vector<16xf32>
      %swap3A_144 = arith.index_cast %scan3A_96 : i32 to index
      %swap3A_145 = arith.constant 80 : index
      %swap3A_146 = tpu.vector_load %arg12[%swap3A_144, %swap3A_145] {strides = array<i32>} : memref<128x128xf32, #tpu.memory_space<vmem>>, vector<1x16xf32>,
      %swap3A_147 = vector.shape_cast %swap3A_146 : vector<1x16xf32> to vector<16xf32>
      %swap3A_148 = vector.shape_cast %get3A_143 : vector<16xf32> to vector<1x16xf32>
      tpu.vector_store %arg12[%swap3A_144, %swap3A_145], %swap3A_148 {add = true, strides = array<i32>} : memref<128x128xf32, #tpu.memory_space<vmem>>, vector<1x16xf32>,
      %get3A_149 = arith.index_cast %scan3A_96 : i32 to index
      %get3A_150 = arith.constant 96 : index
      %get3A_151 = tpu.vector_load %arg9[%get3A_149, %get3A_150] {strides = array<i32>} : memref<128x128xf32, #tpu.memory_space<vmem>>, vector<1x16xf32>,
      %get3A_152 = vector.shape_cast %get3A_151 : vector<1x16xf32> to vector<16xf32>
      %swap3A_153 = arith.index_cast %scan3A_96 : i32 to index
      %swap3A_154 = arith.constant 96 : index
      %swap3A_155 = tpu.vector_load %arg12[%swap3A_153, %swap3A_154] {strides = array<i32>} : memref<128x128xf32, #tpu.memory_space<vmem>>, vector<1x16xf32>,
      %swap3A_156 = vector.shape_cast %swap3A_155 : vector<1x16xf32> to vector<16xf32>
      %swap3A_157 = vector.shape_cast %get3A_152 : vector<16xf32> to vector<1x16xf32>
      tpu.vector_store %arg12[%swap3A_153, %swap3A_154], %swap3A_157 {add = true, strides = array<i32>} : memref<128x128xf32, #tpu.memory_space<vmem>>, vector<1x16xf32>,
      %get3A_158 = arith.index_cast %scan3A_96 : i32 to index
      %get3A_159 = arith.constant 112 : index
      %get3A_160 = tpu.vector_load %arg9[%get3A_158, %get3A_159] {strides = array<i32>} : memref<128x128xf32, #tpu.memory_space<vmem>>, vector<1x16xf32>,
      %get3A_161 = vector.shape_cast %get3A_160 : vector<1x16xf32> to vector<16xf32>
      %swap3A_162 = arith.index_cast %scan3A_96 : i32 to index
      %swap3A_163 = arith.constant 112 : index
      %swap3A_164 = tpu.vector_load %arg12[%swap3A_162, %swap3A_163] {strides = array<i32>} : memref<128x128xf32, #tpu.memory_space<vmem>>, vector<1x16xf32>,
      %swap3A_165 = vector.shape_cast %swap3A_164 : vector<1x16xf32> to vector<16xf32>
      %swap3A_166 = vector.shape_cast %get3A_161 : vector<16xf32> to vector<1x16xf32>
      tpu.vector_store %arg12[%swap3A_162, %swap3A_163], %swap3A_166 {add = true, strides = array<i32>} : memref<128x128xf32, #tpu.memory_space<vmem>>, vector<1x16xf32>,
    }
    %scan3A_53 = arith.constant 128 : i32
    %add3A_54 = arith.constant 6144 : i32
    %add3A_55 = arith.addi %mul3A_2, %add3A_54 : i32
    %dma_start3A_56 = arith.constant 0 : i32
    %dma_start3A_57 = tpu.memref_slice %arg6[%add3A_55, %dma_start3A_56] : memref<204800x128xf32, #tpu.memory_space<hbm>> -> memref<128x128xf32, #tpu.memory_space<hbm>>
    %dma_start3A_58 = arith.constant 0 : i32
    %dma_start3A_59 = tpu.memref_slice %arg6[%add3A_55, %dma_start3A_58] : memref<204800x128xf32, #tpu.memory_space<hbm>> -> memref<128x128xf32, #tpu.memory_space<hbm>>
    tpu.enqueue_dma source(%arg12 : memref<128x128xf32, #tpu.memory_space<vmem>>) target(%dma_start3A_59 : memref<128x128xf32, #tpu.memory_space<hbm>>) target_semaphore(%arg18 : memref<!tpu.dma_semaphore, #tpu.memory_space<semaphore_mem>>)
    %dma_wait3A_60 = arith.constant 0 : i32
    %dma_wait3A_61 = arith.constant 0 : i32
    %dma_wait3A_62 = tpu.memref_slice %arg2[%dma_wait3A_60, %dma_wait3A_61] : memref<100000x128xf32, #tpu.memory_space<hbm>> -> memref<128x128xf32, #tpu.memory_space<hbm>>
    %dma_wait3A_63 = arith.constant 0 : i32
    %dma_wait3A_64 = arith.constant 0 : i32
    %dma_wait3A_65 = tpu.memref_slice %arg2[%dma_wait3A_63, %dma_wait3A_64] : memref<100000x128xf32, #tpu.memory_space<hbm>> -> memref<128x128xf32, #tpu.memory_space<hbm>>
    tpu.wait_dma2 semaphore(%arg16 : memref<!tpu.dma_semaphore, #tpu.memory_space<semaphore_mem>>) src(%dma_wait3A_65 : memref<128x128xf32, #tpu.memory_space<hbm>>) dst(%arg10 : memref<128x128xf32, #tpu.memory_space<vmem>>)
    %dma_wait3A_66 = arith.constant 0 : i32
    %dma_wait3A_67 = arith.constant 0 : i32
    %dma_wait3A_68 = tpu.memref_slice %arg2[%dma_wait3A_66, %dma_wait3A_67] : memref<100000x128xf32, #tpu.memory_space<hbm>> -> memref<128x128xf32, #tpu.memory_space<hbm>>
    %dma_wait3A_69 = arith.constant 0 : i32
    %dma_wait3A_70 = arith.constant 0 : i32
    %dma_wait3A_71 = tpu.memref_slice %arg2[%dma_wait3A_69, %dma_wait3A_70] : memref<100000x128xf32, #tpu.memory_space<hbm>> -> memref<128x128xf32, #tpu.memory_space<hbm>>
    tpu.wait_dma2 semaphore(%arg16 : memref<!tpu.dma_semaphore, #tpu.memory_space<semaphore_mem>>) src(%dma_wait3A_71 : memref<128x128xf32, #tpu.memory_space<hbm>>) dst(%arg13 : memref<128x128xf32, #tpu.memory_space<vmem>>)
    %scan3A_72 = arith.constant 0 : i32
    %scan3A_73 = arith.constant 0 : i32
    %scan3A_74 = arith.constant 128 : i32
    %scan3A_75 = arith.addi %scan3A_73, %scan3A_74 : i32
    %scan3A_76 = arith.constant 1 : i32
    scf.for %scan3A_96 = %scan3A_73 to %scan3A_75 step %scan3A_76  : i32 {
      %get3A = arith.index_cast %scan3A_96 : i32 to index
      %get3A_97 = arith.constant 0 : index
      %get3A_98 = tpu.vector_load %arg10[%get3A, %get3A_97] {strides = array<i32>} : memref<128x128xf32, #tpu.memory_space<vmem>>, vector<1x16xf32>,
      %get3A_99 = vector.shape_cast %get3A_98 : vector<1x16xf32> to vector<16xf32>
      %swap3A = arith.index_cast %scan3A_96 : i32 to index
      %swap3A_100 = arith.constant 0 : index
      %swap3A_101 = tpu.vector_load %arg13[%swap3A, %swap3A_100] {strides = array<i32>} : memref<128x128xf32, #tpu.memory_space<vmem>>, vector<1x16xf32>,
      %swap3A_102 = vector.shape_cast %swap3A_101 : vector<1x16xf32> to vector<16xf32>
      %swap3A_103 = vector.shape_cast %get3A_99 : vector<16xf32> to vector<1x16xf32>
      tpu.vector_store %arg13[%swap3A, %swap3A_100], %swap3A_103 {add = true, strides = array<i32>} : memref<128x128xf32, #tpu.memory_space<vmem>>, vector<1x16xf32>,
      %get3A_104 = arith.index_cast %scan3A_96 : i32 to index
      %get3A_105 = arith.constant 16 : index
      %get3A_106 = tpu.vector_load %arg10[%get3A_104, %get3A_105] {strides = array<i32>} : memref<128x128xf32, #tpu.memory_space<vmem>>, vector<1x16xf32>,
      %get3A_107 = vector.shape_cast %get3A_106 : vector<1x16xf32> to vector<16xf32>
      %swap3A_108 = arith.index_cast %scan3A_96 : i32 to index
      %swap3A_109 = arith.constant 16 : index
      %swap3A_110 = tpu.vector_load %arg13[%swap3A_108, %swap3A_109] {strides = array<i32>} : memref<128x128xf32, #tpu.memory_space<vmem>>, vector<1x16xf32>,
      %swap3A_111 = vector.shape_cast %swap3A_110 : vector<1x16xf32> to vector<16xf32>
      %swap3A_112 = vector.shape_cast %get3A_107 : vector<16xf32> to vector<1x16xf32>
      tpu.vector_store %arg13[%swap3A_108, %swap3A_109], %swap3A_112 {add = true, strides = array<i32>} : memref<128x128xf32, #tpu.memory_space<vmem>>, vector<1x16xf32>,
      %get3A_113 = arith.index_cast %scan3A_96 : i32 to index
      %get3A_114 = arith.constant 32 : index
      %get3A_115 = tpu.vector_load %arg10[%get3A_113, %get3A_114] {strides = array<i32>} : memref<128x128xf32, #tpu.memory_space<vmem>>, vector<1x16xf32>,
      %get3A_116 = vector.shape_cast %get3A_115 : vector<1x16xf32> to vector<16xf32>
      %swap3A_117 = arith.index_cast %scan3A_96 : i32 to index
      %swap3A_118 = arith.constant 32 : index
      %swap3A_119 = tpu.vector_load %arg13[%swap3A_117, %swap3A_118] {strides = array<i32>} : memref<128x128xf32, #tpu.memory_space<vmem>>, vector<1x16xf32>,
      %swap3A_120 = vector.shape_cast %swap3A_119 : vector<1x16xf32> to vector<16xf32>
      %swap3A_121 = vector.shape_cast %get3A_116 : vector<16xf32> to vector<1x16xf32>
      tpu.vector_store %arg13[%swap3A_117, %swap3A_118], %swap3A_121 {add = true, strides = array<i32>} : memref<128x128xf32, #tpu.memory_space<vmem>>, vector<1x16xf32>,
      %get3A_122 = arith.index_cast %scan3A_96 : i32 to index
      %get3A_123 = arith.constant 48 : index
      %get3A_124 = tpu.vector_load %arg10[%get3A_122, %get3A_123] {strides = array<i32>} : memref<128x128xf32, #tpu.memory_space<vmem>>, vector<1x16xf32>,
      %get3A_125 = vector.shape_cast %get3A_124 : vector<1x16xf32> to vector<16xf32>
      %swap3A_126 = arith.index_cast %scan3A_96 : i32 to index
      %swap3A_127 = arith.constant 48 : index
      %swap3A_128 = tpu.vector_load %arg13[%swap3A_126, %swap3A_127] {strides = array<i32>} : memref<128x128xf32, #tpu.memory_space<vmem>>, vector<1x16xf32>,
      %swap3A_129 = vector.shape_cast %swap3A_128 : vector<1x16xf32> to vector<16xf32>
      %swap3A_130 = vector.shape_cast %get3A_125 : vector<16xf32> to vector<1x16xf32>
      tpu.vector_store %arg13[%swap3A_126, %swap3A_127], %swap3A_130 {add = true, strides = array<i32>} : memref<128x128xf32, #tpu.memory_space<vmem>>, vector<1x16xf32>,
      %get3A_131 = arith.index_cast %scan3A_96 : i32 to index
      %get3A_132 = arith.constant 64 : index
      %get3A_133 = tpu.vector_load %arg10[%get3A_131, %get3A_132] {strides = array<i32>} : memref<128x128xf32, #tpu.memory_space<vmem>>, vector<1x16xf32>,
      %get3A_134 = vector.shape_cast %get3A_133 : vector<1x16xf32> to vector<16xf32>
      %swap3A_135 = arith.index_cast %scan3A_96 : i32 to index
      %swap3A_136 = arith.constant 64 : index
      %swap3A_137 = tpu.vector_load %arg13[%swap3A_135, %swap3A_136] {strides = array<i32>} : memref<128x128xf32, #tpu.memory_space<vmem>>, vector<1x16xf32>,
      %swap3A_138 = vector.shape_cast %swap3A_137 : vector<1x16xf32> to vector<16xf32>
      %swap3A_139 = vector.shape_cast %get3A_134 : vector<16xf32> to vector<1x16xf32>
      tpu.vector_store %arg13[%swap3A_135, %swap3A_136], %swap3A_139 {add = true, strides = array<i32>} : memref<128x128xf32, #tpu.memory_space<vmem>>, vector<1x16xf32>,
      %get3A_140 = arith.index_cast %scan3A_96 : i32 to index
      %get3A_141 = arith.constant 80 : index
      %get3A_142 = tpu.vector_load %arg10[%get3A_140, %get3A_141] {strides = array<i32>} : memref<128x128xf32, #tpu.memory_space<vmem>>, vector<1x16xf32>,
      %get3A_143 = vector.shape_cast %get3A_142 : vector<1x16xf32> to vector<16xf32>
      %swap3A_144 = arith.index_cast %scan3A_96 : i32 to index
      %swap3A_145 = arith.constant 80 : index
      %swap3A_146 = tpu.vector_load %arg13[%swap3A_144, %swap3A_145] {strides = array<i32>} : memref<128x128xf32, #tpu.memory_space<vmem>>, vector<1x16xf32>,
      %swap3A_147 = vector.shape_cast %swap3A_146 : vector<1x16xf32> to vector<16xf32>
      %swap3A_148 = vector.shape_cast %get3A_143 : vector<16xf32> to vector<1x16xf32>
      tpu.vector_store %arg13[%swap3A_144, %swap3A_145], %swap3A_148 {add = true, strides = array<i32>} : memref<128x128xf32, #tpu.memory_space<vmem>>, vector<1x16xf32>,
      %get3A_149 = arith.index_cast %scan3A_96 : i32 to index
      %get3A_150 = arith.constant 96 : index
      %get3A_151 = tpu.vector_load %arg10[%get3A_149, %get3A_150] {strides = array<i32>} : memref<128x128xf32, #tpu.memory_space<vmem>>, vector<1x16xf32>,
      %get3A_152 = vector.shape_cast %get3A_151 : vector<1x16xf32> to vector<16xf32>
      %swap3A_153 = arith.index_cast %scan3A_96 : i32 to index
      %swap3A_154 = arith.constant 96 : index
      %swap3A_155 = tpu.vector_load %arg13[%swap3A_153, %swap3A_154] {strides = array<i32>} : memref<128x128xf32, #tpu.memory_space<vmem>>, vector<1x16xf32>,
      %swap3A_156 = vector.shape_cast %swap3A_155 : vector<1x16xf32> to vector<16xf32>
      %swap3A_157 = vector.shape_cast %get3A_152 : vector<16xf32> to vector<1x16xf32>
      tpu.vector_store %arg13[%swap3A_153, %swap3A_154], %swap3A_157 {add = true, strides = array<i32>} : memref<128x128xf32, #tpu.memory_space<vmem>>, vector<1x16xf32>,
      %get3A_158 = arith.index_cast %scan3A_96 : i32 to index
      %get3A_159 = arith.constant 112 : index
      %get3A_160 = tpu.vector_load %arg10[%get3A_158, %get3A_159] {strides = array<i32>} : memref<128x128xf32, #tpu.memory_space<vmem>>, vector<1x16xf32>,
      %get3A_161 = vector.shape_cast %get3A_160 : vector<1x16xf32> to vector<16xf32>
      %swap3A_162 = arith.index_cast %scan3A_96 : i32 to index
      %swap3A_163 = arith.constant 112 : index
      %swap3A_164 = tpu.vector_load %arg13[%swap3A_162, %swap3A_163] {strides = array<i32>} : memref<128x128xf32, #tpu.memory_space<vmem>>, vector<1x16xf32>,
      %swap3A_165 = vector.shape_cast %swap3A_164 : vector<1x16xf32> to vector<16xf32>
      %swap3A_166 = vector.shape_cast %get3A_161 : vector<16xf32> to vector<1x16xf32>
      tpu.vector_store %arg13[%swap3A_162, %swap3A_163], %swap3A_166 {add = true, strides = array<i32>} : memref<128x128xf32, #tpu.memory_space<vmem>>, vector<1x16xf32>,
    }
    %scan3A_77 = arith.constant 128 : i32
    %add3A_78 = arith.constant 6272 : i32
    %add3A_79 = arith.addi %mul3A_2, %add3A_78 : i32
    %dma_start3A_80 = arith.constant 0 : i32
    %dma_start3A_81 = tpu.memref_slice %arg6[%add3A_79, %dma_start3A_80] : memref<204800x128xf32, #tpu.memory_space<hbm>> -> memref<128x128xf32, #tpu.memory_space<hbm>>
    %dma_start3A_82 = arith.constant 0 : i32
    %dma_start3A_83 = tpu.memref_slice %arg6[%add3A_79, %dma_start3A_82] : memref<204800x128xf32, #tpu.memory_space<hbm>> -> memref<128x128xf32, #tpu.memory_space<hbm>>
    tpu.enqueue_dma source(%arg13 : memref<128x128xf32, #tpu.memory_space<vmem>>) target(%dma_start3A_83 : memref<128x128xf32, #tpu.memory_space<hbm>>) target_semaphore(%arg19 : memref<!tpu.dma_semaphore, #tpu.memory_space<semaphore_mem>>)
    %dma_wait3A_84 = arith.constant 0 : i32
    %dma_wait3A_85 = tpu.memref_slice %arg6[%mul3A_2, %dma_wait3A_84] : memref<204800x128xf32, #tpu.memory_space<hbm>> -> memref<128x128xf32, #tpu.memory_space<hbm>>
    %dma_wait3A_86 = arith.constant 0 : i32
    %dma_wait3A_87 = tpu.memref_slice %arg6[%mul3A_2, %dma_wait3A_86] : memref<204800x128xf32, #tpu.memory_space<hbm>> -> memref<128x128xf32, #tpu.memory_space<hbm>>
    tpu.wait_dma2 semaphore(%arg18 : memref<!tpu.dma_semaphore, #tpu.memory_space<semaphore_mem>>) src(%arg12 : memref<128x128xf32, #tpu.memory_space<vmem>>) dst(%dma_wait3A_87 : memref<128x128xf32, #tpu.memory_space<hbm>>)
    %dma_wait3A_88 = arith.constant 0 : i32
    %dma_wait3A_89 = tpu.memref_slice %arg6[%mul3A_2, %dma_wait3A_88] : memref<204800x128xf32, #tpu.memory_space<hbm>> -> memref<128x128xf32, #tpu.memory_space<hbm>>
    %dma_wait3A_90 = arith.constant 0 : i32
    %dma_wait3A_91 = tpu.memref_slice %arg6[%mul3A_2, %dma_wait3A_90] : memref<204800x128xf32, #tpu.memory_space<hbm>> -> memref<128x128xf32, #tpu.memory_space<hbm>>
    tpu.wait_dma2 semaphore(%arg19 : memref<!tpu.dma_semaphore, #tpu.memory_space<semaphore_mem>>) src(%arg13 : memref<128x128xf32, #tpu.memory_space<vmem>>) dst(%dma_wait3A_91 : memref<128x128xf32, #tpu.memory_space<hbm>>)
    %dma_wait3A_92 = arith.constant 0 : i32
    %dma_wait3A_93 = tpu.memref_slice %arg6[%mul3A_2, %dma_wait3A_92] : memref<204800x128xf32, #tpu.memory_space<hbm>> -> memref<128x128xf32, #tpu.memory_space<hbm>>
    %dma_wait3A_94 = arith.constant 0 : i32
    %dma_wait3A_95 = tpu.memref_slice %arg6[%mul3A_2, %dma_wait3A_94] : memref<204800x128xf32, #tpu.memory_space<hbm>> -> memref<128x128xf32, #tpu.memory_space<hbm>>
    tpu.wait_dma2 semaphore(%arg20 : memref<!tpu.dma_semaphore, #tpu.memory_space<semaphore_mem>>) src(%arg14 : memref<128x128xf32, #tpu.memory_space<vmem>>) dst(%dma_wait3A_95 : memref<128x128xf32, #tpu.memory_space<hbm>>)
    return
  }
}

module attributes {stable_mosaic.version = 14 : i64} {
  func.func @_prep_body(%arg0: memref<1024x200xi32, #tpu.memory_space<vmem>>, %arg1: memref<200x128xf32, #tpu.memory_space<vmem>>, %arg2: memref<3x128xf32, #tpu.memory_space<vmem>>, %arg3: memref<200x3x128xf32, #tpu.memory_space<vmem>>, %arg4: memref<1024x200xi32, #tpu.memory_space<vmem>>) attributes {dimension_semantics = [], scalar_prefetch = 0 : i64, scratch_operands = 0 : i64, tpu.core_type = #tpu.core_type<tc>} {
    %get3A = arith.constant 0 : index
    %get3A_0 = arith.constant 0 : index
    %get3A_1 = vector.load %arg1[%get3A, %get3A_0] : memref<200x128xf32, #tpu.memory_space<vmem>>, vector<200x128xf32>
    %broadcast_in_dim3A = vector.shape_cast %get3A_1 : vector<200x128xf32> to vector<200x1x128xf32>
    %get3A_2 = arith.constant 0 : index
    %get3A_3 = arith.constant 0 : index
    %get3A_4 = vector.load %arg2[%get3A_2, %get3A_3] : memref<3x128xf32, #tpu.memory_space<vmem>>, vector<3x128xf32>
    %broadcast_in_dim3A_5 = vector.shape_cast %get3A_4 : vector<3x128xf32> to vector<1x3x128xf32>
    %add3A = vector.broadcast %broadcast_in_dim3A : vector<200x1x128xf32> to vector<200x3x128xf32>
    %add3A_6 = vector.broadcast %broadcast_in_dim3A_5 : vector<1x3x128xf32> to vector<200x3x128xf32>
    %add3A_7 = arith.addf %add3A, %add3A_6 : vector<200x3x128xf32>
    %swap3A = arith.constant 0 : index
    %swap3A_8 = arith.constant 0 : index
    %swap3A_9 = arith.constant 0 : index
    %swap3A_10 = vector.load %arg3[%swap3A, %swap3A_8, %swap3A_9] : memref<200x3x128xf32, #tpu.memory_space<vmem>>, vector<200x3x128xf32>
    tpu.vector_store %arg3[%swap3A, %swap3A_8, %swap3A_9], %add3A_7 {strides = array<i32>} : memref<200x3x128xf32, #tpu.memory_space<vmem>>, vector<200x3x128xf32>,
    %iota3A = tpu.iota {dimensions = array<i32: 1>} : vector<1024x200xi32>
    %get3A_11 = arith.constant 0 : index
    %get3A_12 = arith.constant 0 : index
    %get3A_13 = vector.load %arg0[%get3A_11, %get3A_12] : memref<1024x200xi32, #tpu.memory_space<vmem>>, vector<1024x200xi32>
    %mul3A = arith.constant 3 : i32
    %mul3A_14 = vector.broadcast %mul3A : i32 to vector<1024x200xi32>
    %mul3A_15 = arith.muli %mul3A_14, %iota3A : vector<1024x200xi32>
    %add3A_16 = arith.addi %get3A_13, %mul3A_15 : vector<1024x200xi32>
    %swap3A_17 = arith.constant 0 : index
    %swap3A_18 = arith.constant 0 : index
    %swap3A_19 = vector.load %arg4[%swap3A_17, %swap3A_18] : memref<1024x200xi32, #tpu.memory_space<vmem>>, vector<1024x200xi32>
    tpu.vector_store %arg4[%swap3A_17, %swap3A_18], %add3A_16 {strides = array<i32>} : memref<1024x200xi32, #tpu.memory_space<vmem>>, vector<1024x200xi32>,
    return
  }
}

</mosaic_0001>

<sc_bundles>
// kernel: kernel.4.cloned.1.call-start
scs
__scs_entry_jumppad:
0x0: {  	(pc) =	sbr.rel $0x88, $3  }
0x1: {  	(tag) =	ssettag $0x0;
	lr =	simm.s32 $0x1  }
0x2: {  	[smem:$0x3F9C] =	sst lr;
	_ =	strace $0xD0000000  }
0x3: {  	_ = 	snop  }
0x4: {  	_ = 	snop  }
0x5: {  	_ = 	snop  }
0x6: {  	_ = 	snop  }
0x7: {  	_ = 	snop  }
__scs_overlays_trampoline_lowered:
0x8: {  	[smem:$0x3FAB] =	sst s0  }
0x9: {  	[smem:$0x3FAC] =	sst s1  }
0xa: {  	[smem:$0x3FAD] =	sst s2  }
0xb: {  	[smem:$0x3FAE] =	sst s3  }
0xc: {  	[smem:$0x3FAF] =	sst s4  }
0xd: {  	[smem:$0x3FB0] =	sst s5  }
0xe: {  	[smem:$0x3FB1] =	sst s6  }
0xf: {  	[smem:$0x3FB2] =	sst s7  }
0x10: {  	[smem:$0x3FB3] =	sst s8  }
0x11: {  	[smem:$0x3FB4] =	sst s9;
	s0 =	simm.s32 @!p0 $0x0  }
0x12: {  	s1 =	sld [smem:$0x3F9A];
	s0 =	simm.s32 @p0 $0x1  }
0x13: {  	[smem:$0x3FB5] =	sst s0;
	s0 =	simm.s32 @!p1 $0x0  }
0x14: {  	s2 =	sld [smem:$0x3F99];
	s0 =	simm.s32 @p1 $0x1  }
0x15: {  	[smem:$0x3FB6] =	sst s0;
	s0 =	simm.s32 @!p2 $0x0  }
0x16: {  	s3 =	sld [smem:$0x3FDB];
	s0 =	simm.s32 @p2 $0x1  }
0x17: {  	s4 =	simm.s32 $0x1BF5;
	[smem:$0x3FB8] =	sst s0  }
0x18: {  	s0 =	sld [smem:$0x3F9B];
	_ =	swait.ge [sflag:s4], $0x0  }
0x19: {  	s7 =	sld [smem:$0x3F9C]  }
0x1a: {  	s8 =	sadd.s32 $0xFFFFE003, lr  }
0x1b: {  	s9 =	sadd.s32 $0xFFFFFEF7, lr;
	s5 =	simm.s32 $0xFFFFFFFF;
	p2 =	slt.u32 s8, $0xFFFFF086  }
0x1c: {  	p1 =	slt.u32 s9, $0xF7A;
	s5 =	simm.s32 @!p2 $0x0  }
0x1d: {  	s5 =	simm.s32 @p1 $0x1;
	p0 =	seq.s32 s7, s2  }
0x1e: {  	s7 =	smul.u32 @!p0 $0xF7A, s2;
	p2 =	seq.s32 @!p0 s5, $0x0  }
0x1f: {  	s9 =	smul.u32 $0xF7A, s1;
	s8 =	simm.s32 @!p0 $0x1BF5;
	p2 =	por !p2, p0  }
0x20: {  	[sflag:s8] =	ssyncset.s32 @!p0 $0xFFFFF086;
	s6 =	sadd.s32 @!p0 s3, s7;
	s7 =	simm.s32 @!p0 $0x108  }
0x21: {  	s3 =	sadd.s32 s3, s9;
	s6 =	sadd.s32 @!p0 $0x88, s6;
	s7 =	simm.s32 @p2 $0x1082  }
0x22: {  	[simem:s7], [sflag:s8] =	dma.local @!p0 [hbm:s6], $0xF7A  }
0x23: {  	s9 =	sor.u32 $0xD0000000, s2;
	s6 =	simm.s32 $0x108;
	_ =	swait.ge @!p0 [sflag:s8], $0x0  }
0x24: {  	s3 =	sadd.s32 $0x88, s3;
	s6 =	simm.s32 @!p1 $0x1082;
	[sflag:s4] =	ssyncset.s32 $0xFFFFF086  }
0x25: {  	[simem:s6], [sflag:s4] =	dma.local [hbm:s3], $0xF7A  }
0x26: {  	[smem:$0x3F9C] =	sst s1;
	(tag) =	ssettag s2;
	_ =	strace s9  }
0x27: {  	s1 =	sld [smem:$0x3FAC]  }
0x28: {  	s2 =	sld [smem:$0x3FAD]  }
0x29: {  	s4 =	sld [smem:$0x3FAF]  }
0x2a: {  	p0 =	seq.s32 s5, $0x0;
	s5 =	sld [smem:$0x3FB0]  }
0x2b: {  	s6 =	sld [smem:$0x3FB1]  }
0x2c: {  	s7 =	sld [smem:$0x3FB2]  }
0x2d: {  	s3 =	simm.s32 $0x108;
	s8 =	sld [smem:$0x3FB3]  }
0x2e: {  	s3 =	simm.s32 @!p0 $0x1082;
	s9 =	sld [smem:$0x3FB4]  }
0x2f: {  	lr =	sadd.s32 s0, s3;
	s0 =	sld [smem:$0x3FAB]  }
0x30: {  	s3 =	sld [smem:$0x3FAE]  }
0x31: {  	[smem:$0x3FB7] =	sst s10  }
0x32: {  	s10 =	sld [smem:$0x3FB5];
	_ =	sdelay $0x3  }
0x33: {  	p0 =	seq.s32 s10, $0x1;
	s10 =	sld [smem:$0x3FB7];
	_ =	sdelay $0x3  }
0x34: {  	[smem:$0x3FB7] =	sst s10  }
0x35: {  	s10 =	sld [smem:$0x3FB6];
	_ =	sdelay $0x3  }
0x36: {  	p1 =	seq.s32 s10, $0x1;
	s10 =	sld [smem:$0x3FB7];
	_ =	sdelay $0x3  }
0x37: {  	[smem:$0x3FB7] =	sst s10  }
0x38: {  	s10 =	sld [smem:$0x3FB8]  }
0x39: {  	_ = 	snop;
	(pc) =	sbr.ind lr, $3  }
0x3a: {  	_ = 	snop  }
0x3b: {  	_ = 	snop  }
0x3c: {  	p2 =	seq.s32 s10, $0x1;
	s10 =	sld [smem:$0x3FB7]  }
0x3d: {  	_ =	shalt  }
0x3e: {  	_ =	shalt  }
0x3f: {  	_ =	shalt  }
0x40: {  	_ =	shalt  }
0x41: {  	_ =	shalt  }
0x42: {  	_ =	shalt  }
0x43: {  	_ =	shalt  }
0x44: {  	_ =	shalt  }
0x45: {  	_ =	shalt  }
0x46: {  	_ =	shalt  }
0x47: {  	_ =	shalt  }
0x48: {  	_ =	shalt  }
0x49: {  	_ =	shalt  }
0x4a: {  	_ =	shalt  }
0x4b: {  	_ =	shalt  }
0x4c: {  	_ =	shalt  }
0x4d: {  	_ =	shalt  }
0x4e: {  	_ =	shalt  }
0x4f: {  	_ =	shalt  }
0x50: {  	_ =	shalt  }
0x51: {  	_ =	shalt  }
0x52: {  	_ =	shalt  }
0x53: {  	_ =	shalt  }
0x54: {  	_ =	shalt  }
0x55: {  	_ =	shalt  }
0x56: {  	_ =	shalt  }
0x57: {  	_ =	shalt  }
0x58: {  	_ =	shalt  }
0x59: {  	_ =	shalt  }
0x5a: {  	_ =	shalt  }
0x5b: {  	_ =	shalt  }
0x5c: {  	_ =	shalt  }
0x5d: {  	_ =	shalt  }
0x5e: {  	_ =	shalt  }
0x5f: {  	_ =	shalt  }
0x60: {  	_ =	shalt  }
0x61: {  	_ =	shalt  }
0x62: {  	_ =	shalt  }
0x63: {  	_ =	shalt  }
0x64: {  	_ =	shalt  }
0x65: {  	_ =	shalt  }
0x66: {  	_ =	shalt  }
0x67: {  	_ =	shalt  }
0x68: {  	_ =	shalt  }
0x69: {  	_ =	shalt  }
0x6a: {  	_ =	shalt  }
0x6b: {  	_ =	shalt  }
0x6c: {  	_ =	shalt  }
0x6d: {  	_ =	shalt  }
0x6e: {  	_ =	shalt  }
0x6f: {  	_ =	shalt  }
0x70: {  	_ =	shalt  }
0x71: {  	_ =	shalt  }
0x72: {  	_ =	shalt  }
0x73: {  	_ =	shalt  }
0x74: {  	_ =	shalt  }
0x75: {  	_ =	shalt  }
0x76: {  	_ =	shalt  }
0x77: {  	_ =	shalt  }
0x78: {  	_ =	shalt  }
0x79: {  	_ =	shalt  }
0x7a: {  	_ =	shalt  }
0x7b: {  	_ =	shalt  }
0x7c: {  	_ =	shalt  }
0x7d: {  	_ =	shalt  }
0x7e: {  	_ =	shalt  }
0x7f: {  	_ =	shalt  }
0x80: {  	_ =	shalt  }
0x81: {  	_ =	shalt  }
0x82: {  	_ =	shalt  }
0x83: {  	_ =	shalt  }
0x84: {  	_ =	shalt  }
0x85: {  	_ =	shalt  }
0x86: {  	_ =	shalt  }
0x87: {  	_ =	shalt  }
.Lfunc_end0:
.L_simem_size_0:
called_computation_lowered:
.L_overlay_start_0:
0x88: {  	s2 =	sld [smem:$0x3FD9]  }
0x89: {  	s3 =	sld [smem:$0x3FFE];
	_ =	sdelay $0x1  }
0x8a: {  	s1 =	srdreg.scid  }
0x8b: {  	s0 =	sand.u32 $0x1, s1  }
0x8c: {  	s17 =	sshll.u32 s0, $0xA;
	s2 =	sadd.s32 s3, s2  }
0x8d: {  	s2 =	sadd.s32 s2, s17  }
0x8e: {  	[smem:$0x3FC3] =	sst s2  }
0x8f: {  	_ = 	snop  }
0x90: {  	s2 =	sld [smem:$0x3FC7]  }
0x91: {  	s18 =	sld [smem:$0x3FD0];
	(tm) =	ssettm $0x1  }
0x92: {  	s4 =	sld [smem:$0x3FFB];
	_ =	sdelay $0x3  }
0x93: {  	_ =	strace s4  }
0x94: {  	s4 =	sld [smem:$0x3FFC];
	_ =	sdelay $0x3  }
0x95: {  	_ =	strace s4  }
0x96: {  	s4 =	sld [smem:$0x3FFD];
	_ =	sdelay $0x3  }
0x97: {  	_ =	strace s4  }
0x98: {  	_ =	strace $0x8FFFFFFF  }
0x99: {  	s19 =	sld [smem:$0x3FDB];
	_ =	sdelay $0x1  }
0x9a: {  	s5 =	simm.s32 $_scs_section_size  }
0x9b: {  	s6 =	simm.s32 $_size__tile_overlayer_lowered;
	s7 =	simm.s32 $_tile_overlayer_lowered  }
0x9c: {  	s22 =	simm.s32 $0x1BFF;
	s21 =	sshll.u32 s7, $0x1;
	s4 =	sadd.s32 s5, s19  }
0x9d: {  	s8 =	simm.s32 $0x0;
	s20 =	sshll.u32 s6, $0x1;
	s6 =	sadd.s32 s21, s4  }
0x9e: {  	[timem:s8], [sflag:s22] =	dma.local [hbm:s6], s20  }
0x9f: {  	_ =	swait.ge [sflag:s22], s20  }
0xa0: {  	s5 =	ssub.s32 $0x0, s20;
	[sflag:s22] =	ssyncset.done $0x0  }
0xa1: {  	[sflag:s22] =	ssyncadd.s32 s5;
	_ =	sdelay $0x1  }
0xa2: {  	s23 =	simm.s32 $0x1B8B  }
0xa3: {  	_ =	swait.ge [sflag:s23], $0x1  }
0xa4: {  	[sflag:s23] =	ssyncset.done $0x0  }
0xa5: {  	s25 =	simm.s32 $0x1B8E;
	s24 =	sld [smem:$0x3FFE];
	[sflag:s23] =	ssyncadd.s32 $0xFFFFFFFF  }
0xa6: {  	s26 =	simm.s32 $execute0_lowered;
	[smem:$0x3FD2] =	sst s25  }
0xa7: {  	s6 =	sshll.u32 s26, $0x1;
	_ =	strace $0x80000046;
	[dreg:$0x1] =	wrdreg $0xFFFFFFFF  }
0xa8: {  	s28 =	simm.s32 $_size_execute0_lowered;
	s4 =	sadd.s32 s4, s6;
	[dreg:$0x0] =	wrdreg $0x0  }
0xa9: {  	s6 =	sshll.u32 s28, $0x1;
	[dreg:$0x2] =	wrdreg s4  }
0xaa: {  	[dreg:$0x3] =	wrdreg s6  }
0xab: {  	[dreg:$0x4] =	wrdreg $0xC0  }
0xac: {  	_ =	task [dreg:s8], $0x5FFFF  }
0xad: {  	[dreg:$0x1] =	wrdreg $0xFFFFFFFF  }
0xae: {  	[dreg:$0x0] =	wrdreg $0x60  }
0xaf: {  	[dreg:$0x2] =	wrdreg s2  }
0xb0: {  	[dreg:$0x3] =	wrdreg s24  }
0xb1: {  	[dreg:$0x4] =	wrdreg s18  }
0xb2: {  	[dreg:$0x5] =	wrdreg $0x9  }
0xb3: {  	_ =	task.clear_ibuf [dreg:s8], $0x6FFFF;
	_ =	strace $0x90000046  }
0xb4: {  	s29 =	simm.s32 $0x9;
	_ =	strace $0x80000048  }
0xb5: {  	_ =	swait.ge [sflag:s29], $0x1  }
0xb6: {  	[sflag:s29] =	ssyncadd.s32 $0xFFFFFFFF  }
0xb7: {  	_ =	strace $0x90000048  }
0xb8: {  	_ =	sfence  }
0xb9: {  	s30 =	sld [smem:$0x0];
	_ =	sdelay $0x2  }
0xba: {  	s31 =	sshll.u32 s1, $0xD;
	s1 =	sshrl.u32 s1, $0x2  }
0xbb: {  	s3 =	sand.u32 $0x4000, s31;
	s1 =	sadd.s32 s1, s30  }
0xbc: {  	s0 =	sor.u32 s3, s0;
	s1 =	sshll.u32 s1, $0x11  }
0xbd: {  	s0 =	sor.u32 s1, s0  }
0xbe: {  	s0 =	sadd.s32 $0x8F2B, s0  }
0xbf: {  	[sflag:s0] =	ssyncadd.remote.s32 $0x1  }
0xc0: {  	_ =	sfence.sel $0xFFFF  }
0xc1: {  	[dreg:$0x0] =	wrdreg $0xFFFFFFFF;
	(pc) =	sbr.abs _section_cstart, $3  }
0xc2: {  	[dreg:$0x1] =	wrdreg $0xFFFFFFFF  }
0xc3: {  	_ =	task.clear_ibuf [dreg:s8], $0x2FFFF;
	_ =	strace $0x9FFFFFFF  }
0xc4: {  	(tm) =	ssettm $0x7FFFFFFF  }
0xc5: {  	_ =	shalt  }
tec
execute0_lowered:
.L_overlay_start_1:
0x0: {  	(tag) =	ssettag $0x1  }
0x1: {  	s1 =	rddreg [dreg:$0x0]  }
0x2: {  	s0 =	srdreg.scid;
	s3 =	stileid.u32  }
0x3: {  	s2 =	rddreg [dreg:$0x1];
	s14 =	simm.s32 $0x7;
	s15 =	simm.s32 $0x1900  }
0x4: {  	s16 =	simm.s32 $0x80;
	s17 =	simm.s32 $0x3200;
	s18 =	simm.s32 $0xF200  }
0x5: {  	s19 =	simm.s32 $0x7200;
	s21 =	simm.s32 $0x13200;
	s23 =	simm.s32 $0xB200  }
0x6: {  	s28 =	simm.s32 $0x4;
	s29 =	simm.s32 $0x2;
	s30 =	simm.s32 $0x5  }
0x7: {  	s31 =	simm.s32 $0x3;
	s0 =	sand.u32 $0x1, s0;
	s4 =	sshll.u32 s3, $0x1  }
0x8: {  	s3 =	rddreg [dreg:$0x2];
	s6 =	sor.u32 s0, s4;
	s4 =	simm.s32 $0x0  }
0x9: {  	s0 =	ssub.s32 $0x2, s0;
	s5 =	smul.u32 $0x1900, s6;
	[smem:$0x7FF] =	sst s4  }
0xa: {  	s8 =	smul.u32 $0xC8000, s6;
	s9 =	sshrl.u32 s0, $0x1;
	s6 =	sadd.s32 $0xD000, s2  }
0xb: {  	_ =	strace $0x80000047;
	s0 =	ssub.s32 s0, s9;
	s7 =	sshrl.u32 s5, $0x3  }
0xc: {  	s25 =	sshrl.u32 s8, $0x3;
	s9 =	sor.u32 $0x80, s5;
	s10 =	sadd.s32 $0x100, s5  }
0xd: {  	s13 =	smax.u32 s0, $0x1;
	s0 =	simm.s32 $0x0;
	s7 =	sadd.s32 s7, s2  }
0xe: {  	s2 =	sadd.s32 s3, s25;
	s25 =	simm.s32 $0x17200;
	s26 =	sadd.s32 $0x800, s7  }
0xf: {  	s8 =	sadd.s32 $0x6C00, s7;
	s11 =	sadd.s32 $0x18000, s2;
	s12 =	sadd.s32 $0x18800, s2  }
0x10: {  	s2 =	simm.s32 $0x6;
	[dreg:$0x4] =	wrdreg s26;
	s26 =	simm.s32 $0x1  }
.LBB2_1:
0x11: {  	s7 =	rddreg [dreg:$0x4]  }
0x12: {  	[tilespmem:s4], [sflag:$0x7] =	stream.linear.gather [hbm4b:s7+s4], $0x1900, $0x38;
	[tilespmem:$0x1B200] =	vst v63  }
0x13: {  	_ =	swait.ge [sflag:s14], $0x1900  }
0x14: {  	[sflag:s14] =	ssyncset.done $0x0  }
0x15: {  	[sflag:s14] =	ssyncadd.s32 $0xFFFFE700  }
0x16: {  	[tilespmem:s15], [sflag:$0x7] =	stream.linear.gather [hbm4b:s8+s4], $0x1900, $0x38;
	[tilespmem:$0x1B200] =	vst v63  }
0x17: {  	_ =	swait.ge [sflag:s14], $0x1900  }
0x18: {  	[sflag:s14] =	ssyncset.done $0x0  }
0x19: {  	[sflag:s14] =	ssyncadd.s32 $0xFFFFE700  }
0x1a: {  	[tilespmem:s17], [sflag:$0x1] =	stream.indirect.gather [hbm4b:s1+s16], $0x80, s4, s16, $0xb8;
	[tilespmem:$0x1B200] =	vst v63  }
0x1b: {  	_ = 	snop  }
0x1c: {  	[tilespmem:s18], [sflag:$0x1] =	stream.indirect.gather [hbm4b:s6+s16], $0x80, s15, s16, $0xb8;
	[tilespmem:$0x1B200] =	vst v63  }
0x1d: {  	_ = 	snop  }
0x1e: {  	[tilespmem:s19], [sflag:$0x2] =	stream.indirect.gather [hbm4b:s1+s16], $0x80, s16, s16, $0xb8;
	[tilespmem:$0x1B200] =	vst v63  }
0x1f: {  	s20 =	simm.s32 $0x1980  }
0x20: {  	[tilespmem:s21], [sflag:$0x2] =	stream.indirect.gather [hbm4b:s6+s16], $0x80, s20, s16, $0xb8;
	[tilespmem:$0x1B200] =	vst v63  }
0x21: {  	s22 =	simm.s32 $0x100  }
0x22: {  	[tilespmem:s23], [sflag:$0x3] =	stream.indirect.gather [hbm4b:s1+s16], $0x80, s22, s16, $0xb8;
	[tilespmem:$0x1B200] =	vst v63  }
0x23: {  	s24 =	simm.s32 $0x1A00;
	s20 =	simm.s32 $0x0  }
0x24: {  	[tilespmem:s25], [sflag:$0x3] =	stream.indirect.gather [hbm4b:s6+s16], $0x80, s24, s16, $0xb8;
	[tilespmem:$0x1B200] =	vst v63  }
.LBB2_2:
0x25: {  	_ =	swait.ge [sflag:s26], $0x4000  }
0x26: {  	[sflag:s26] =	ssyncset.done $0x0  }
0x27: {  	[sflag:s26] =	ssyncadd.s32 $0xFFFFC000  }
0x28: {  	_ =	swait.ge [sflag:s26], $0x4000  }
0x29: {  	[sflag:s26] =	ssyncset.done $0x0  }
0x2a: {  	s24 =	simm.s32 $0x0;
	s22 =	simm.s32 $0x200;
	[sflag:s26] =	ssyncadd.s32 $0xFFFFC000  }
.LBB2_3:
0x2b: {  	p0 =	sne.s32 s22, $0xFE00;
	v0 =	vld [tilespmem:s24+$0x3270]  }
0x2c: {  	v1 =	vld [tilespmem:s24+$0x3200]  }
0x2d: {  	v2 =	vld [tilespmem:s24+$0x3210]  }
0x2e: {  	v3 =	vld [tilespmem:s24+$0x3220]  }
0x2f: {  	v4 =	vld [tilespmem:s24+$0x3230]  }
0x30: {  	[tilespmem:s24+$0xF270] =	vst.add.f32.msk $0xffff, v0  }
0x31: {  	v0 =	vld [tilespmem:s24+$0x3240]  }
0x32: {  	v5 =	vld [tilespmem:s24+$0x3250]  }
0x33: {  	v6 =	vld [tilespmem:s24+$0x3260]  }
0x34: {  	[tilespmem:s24+$0xF200] =	vst.add.f32.msk $0xffff, v1  }
0x35: {  	[tilespmem:s24+$0xF210] =	vst.add.f32.msk $0xffff, v2  }
.Ltmp0:
0x36: {  	[tilespmem:s24+$0xF220] =	vst.add.f32.msk $0xffff, v3;
	(pc) =	sbr.rel @p0 .LBB2_3-.Ltmp0, $4  }
0x37: {  	[tilespmem:s24+$0xF230] =	vst.add.f32.msk $0xffff, v4  }
0x38: {  	[tilespmem:s24+$0xF240] =	vst.add.f32.msk $0xffff, v0  }
0x39: {  	[tilespmem:s24+$0xF250] =	vst.add.f32.msk $0xffff, v5  }
0x3a: {  	[tilespmem:s24+$0xF260] =	vst.add.f32.msk $0xffff, v6;
	s24 =	sshra.s32 s22, $0x2;
	s22 =	sadd.s32 $0x200, s22  }
0x3b: {  	v0 =	vld [tilespmem:s24+$0x3270]  }
0x3c: {  	v1 =	vld [tilespmem:s24+$0x3200]  }
0x3d: {  	v2 =	vld [tilespmem:s24+$0x3210]  }
0x3e: {  	v3 =	vld [tilespmem:s24+$0x3220]  }
0x3f: {  	v4 =	vld [tilespmem:s24+$0x3230]  }
0x40: {  	v63 =	vld [tilespmem:s24+$0x3240]  }
0x41: {  	v5 =	vld [tilespmem:s24+$0x3250]  }
0x42: {  	v6 =	vld [tilespmem:s24+$0x3260]  }
0x43: {  	[tilespmem:s24+$0xF270] =	vst.add.f32.msk $0xffff, v0  }
0x44: {  	[tilespmem:s24+$0xF200] =	vst.add.f32.msk $0xffff, v1  }
0x45: {  	[tilespmem:s24+$0xF210] =	vst.add.f32.msk $0xffff, v2  }
0x46: {  	s22 =	smul.u32 $0x180, s20;
	[tilespmem:s24+$0xF220] =	vst.add.f32.msk $0xffff, v3  }
0x47: {  	[tilespmem:s24+$0xF230] =	vst.add.f32.msk $0xffff, v4  }
0x48: {  	s7 =	sadd.s32 s5, s22;
	[tilespmem:s24+$0xF240] =	vst.add.f32.msk $0xffff, v63  }
0x49: {  	s7 =	sshll.u32 s7, $0x4;
	[tilespmem:s24+$0xF250] =	vst.add.f32.msk $0xffff, v5  }
0x4a: {  	s7 =	sadd.s32 s3, s7;
	[tilespmem:s24+$0xF260] =	vst.add.f32.msk $0xffff, v6;
	s24 =	simm.s32 $0x0  }
0x4b: {  	[hbm4b:s7+s24] =	stream.linear.scatter [tilespmem:s18], [sflag:$0x4], $0x4000, $0x38;
	[tilespmem:$0x1B200] =	vst v63  }
0x4c: {  	_ =	swait.ge [sflag:s28], $0x4000  }
0x4d: {  	[sflag:s28] =	ssyncset.done $0x0  }
0x4e: {  	s24 =	sadd.s32 $0x180, s22;
	[sflag:s28] =	ssyncadd.s32 $0xFFFFC000  }
0x4f: {  	[tilespmem:s17], [sflag:$0x1] =	stream.indirect.gather [hbm4b:s1+s16], $0x80, s24, s16, $0xb8;
	[tilespmem:$0x1B200] =	vst v63  }
0x50: {  	s24 =	sadd.s32 $0x1A80, s22  }
0x51: {  	[tilespmem:s18], [sflag:$0x1] =	stream.indirect.gather [hbm4b:s6+s16], $0x80, s24, s16, $0xb8;
	[tilespmem:$0x1B200] =	vst v63  }
0x52: {  	_ =	swait.ge [sflag:s29], $0x4000  }
0x53: {  	[sflag:s29] =	ssyncset.done $0x0  }
0x54: {  	[sflag:s29] =	ssyncadd.s32 $0xFFFFC000  }
0x55: {  	_ =	swait.ge [sflag:s29], $0x4000  }
0x56: {  	[sflag:s29] =	ssyncset.done $0x0  }
0x57: {  	s7 =	simm.s32 $0x200;
	s24 =	simm.s32 $0x0;
	[sflag:s29] =	ssyncadd.s32 $0xFFFFC000  }
.LBB2_5:
0x58: {  	p0 =	sne.s32 s7, $0xFE00;
	v0 =	vld [tilespmem:s24+$0x7270]  }
0x59: {  	v1 =	vld [tilespmem:s24+$0x7200]  }
0x5a: {  	v2 =	vld [tilespmem:s24+$0x7210]  }
0x5b: {  	v3 =	vld [tilespmem:s24+$0x7220]  }
0x5c: {  	v4 =	vld [tilespmem:s24+$0x7230]  }
0x5d: {  	[tilespmem:s24+$0x13270] =	vst.add.f32.msk $0xffff, v0  }
0x5e: {  	v0 =	vld [tilespmem:s24+$0x7240]  }
0x5f: {  	v5 =	vld [tilespmem:s24+$0x7250]  }
0x60: {  	v6 =	vld [tilespmem:s24+$0x7260]  }
0x61: {  	[tilespmem:s24+$0x13200] =	vst.add.f32.msk $0xffff, v1  }
0x62: {  	[tilespmem:s24+$0x13210] =	vst.add.f32.msk $0xffff, v2  }
.Ltmp1:
0x63: {  	[tilespmem:s24+$0x13220] =	vst.add.f32.msk $0xffff, v3;
	(pc) =	sbr.rel @p0 .LBB2_5-.Ltmp1, $4  }
0x64: {  	[tilespmem:s24+$0x13230] =	vst.add.f32.msk $0xffff, v4  }
0x65: {  	[tilespmem:s24+$0x13240] =	vst.add.f32.msk $0xffff, v0  }
0x66: {  	[tilespmem:s24+$0x13250] =	vst.add.f32.msk $0xffff, v5  }
0x67: {  	[tilespmem:s24+$0x13260] =	vst.add.f32.msk $0xffff, v6;
	s24 =	sshra.s32 s7, $0x2;
	s7 =	sadd.s32 $0x200, s7  }
0x68: {  	v0 =	vld [tilespmem:s24+$0x7270]  }
0x69: {  	v1 =	vld [tilespmem:s24+$0x7200]  }
0x6a: {  	v2 =	vld [tilespmem:s24+$0x7210]  }
0x6b: {  	v3 =	vld [tilespmem:s24+$0x7220]  }
0x6c: {  	v4 =	vld [tilespmem:s24+$0x7230]  }
0x6d: {  	v63 =	vld [tilespmem:s24+$0x7240]  }
0x6e: {  	v5 =	vld [tilespmem:s24+$0x7250]  }
0x6f: {  	v6 =	vld [tilespmem:s24+$0x7260]  }
0x70: {  	[tilespmem:s24+$0x13270] =	vst.add.f32.msk $0xffff, v0  }
0x71: {  	[tilespmem:s24+$0x13200] =	vst.add.f32.msk $0xffff, v1  }
0x72: {  	[tilespmem:s24+$0x13210] =	vst.add.f32.msk $0xffff, v2  }
0x73: {  	[tilespmem:s24+$0x13220] =	vst.add.f32.msk $0xffff, v3  }
0x74: {  	[tilespmem:s24+$0x13230] =	vst.add.f32.msk $0xffff, v4  }
0x75: {  	s7 =	sadd.s32 s22, s9;
	[tilespmem:s24+$0x13240] =	vst.add.f32.msk $0xffff, v63  }
0x76: {  	s7 =	sshll.u32 s7, $0x4;
	[tilespmem:s24+$0x13250] =	vst.add.f32.msk $0xffff, v5  }
0x77: {  	s7 =	sadd.s32 s3, s7;
	[tilespmem:s24+$0x13260] =	vst.add.f32.msk $0xffff, v6;
	s24 =	simm.s32 $0x0  }
0x78: {  	[hbm4b:s7+s24] =	stream.linear.scatter [tilespmem:s21], [sflag:$0x5], $0x4000, $0x38;
	[tilespmem:$0x1B200] =	vst v63  }
0x79: {  	_ =	swait.ge [sflag:s30], $0x4000  }
0x7a: {  	[sflag:s30] =	ssyncset.done $0x0  }
0x7b: {  	s24 =	sadd.s32 $0x200, s22;
	[sflag:s30] =	ssyncadd.s32 $0xFFFFC000  }
0x7c: {  	[tilespmem:s19], [sflag:$0x2] =	stream.indirect.gather [hbm4b:s1+s16], $0x80, s24, s16, $0xb8;
	[tilespmem:$0x1B200] =	vst v63  }
0x7d: {  	s24 =	sadd.s32 $0x1B00, s22  }
0x7e: {  	[tilespmem:s21], [sflag:$0x2] =	stream.indirect.gather [hbm4b:s6+s16], $0x80, s24, s16, $0xb8;
	[tilespmem:$0x1B200] =	vst v63  }
0x7f: {  	_ =	swait.ge [sflag:s31], $0x4000  }
0x80: {  	[sflag:s31] =	ssyncset.done $0x0  }
0x81: {  	[sflag:s31] =	ssyncadd.s32 $0xFFFFC000  }
0x82: {  	_ =	swait.ge [sflag:s31], $0x4000  }
0x83: {  	[sflag:s31] =	ssyncset.done $0x0  }
0x84: {  	s7 =	simm.s32 $0x200;
	s24 =	simm.s32 $0x0;
	[sflag:s31] =	ssyncadd.s32 $0xFFFFC000  }
.LBB2_7:
0x85: {  	p0 =	sne.s32 s7, $0xFE00;
	v0 =	vld [tilespmem:s24+$0xB270]  }
0x86: {  	v1 =	vld [tilespmem:s24+$0xB200]  }
0x87: {  	v2 =	vld [tilespmem:s24+$0xB210]  }
0x88: {  	v3 =	vld [tilespmem:s24+$0xB220]  }
0x89: {  	v4 =	vld [tilespmem:s24+$0xB230]  }
0x8a: {  	[tilespmem:s24+$0x17270] =	vst.add.f32.msk $0xffff, v0  }
0x8b: {  	v0 =	vld [tilespmem:s24+$0xB240]  }
0x8c: {  	v5 =	vld [tilespmem:s24+$0xB250]  }
0x8d: {  	v6 =	vld [tilespmem:s24+$0xB260]  }
0x8e: {  	[tilespmem:s24+$0x17200] =	vst.add.f32.msk $0xffff, v1  }
0x8f: {  	[tilespmem:s24+$0x17210] =	vst.add.f32.msk $0xffff, v2  }
.Ltmp2:
0x90: {  	[tilespmem:s24+$0x17220] =	vst.add.f32.msk $0xffff, v3;
	(pc) =	sbr.rel @p0 .LBB2_7-.Ltmp2, $4  }
0x91: {  	[tilespmem:s24+$0x17230] =	vst.add.f32.msk $0xffff, v4  }
0x92: {  	[tilespmem:s24+$0x17240] =	vst.add.f32.msk $0xffff, v0  }
0x93: {  	[tilespmem:s24+$0x17250] =	vst.add.f32.msk $0xffff, v5  }
0x94: {  	[tilespmem:s24+$0x17260] =	vst.add.f32.msk $0xffff, v6;
	s24 =	sshra.s32 s7, $0x2;
	s7 =	sadd.s32 $0x200, s7  }
0x95: {  	v0 =	vld [tilespmem:s24+$0xB270]  }
0x96: {  	v1 =	vld [tilespmem:s24+$0xB200]  }
0x97: {  	v2 =	vld [tilespmem:s24+$0xB210]  }
0x98: {  	v3 =	vld [tilespmem:s24+$0xB220]  }
0x99: {  	v4 =	vld [tilespmem:s24+$0xB230]  }
0x9a: {  	v63 =	vld [tilespmem:s24+$0xB240]  }
0x9b: {  	v5 =	vld [tilespmem:s24+$0xB250]  }
0x9c: {  	v6 =	vld [tilespmem:s24+$0xB260]  }
0x9d: {  	[tilespmem:s24+$0x17270] =	vst.add.f32.msk $0xffff, v0  }
0x9e: {  	[tilespmem:s24+$0x17200] =	vst.add.f32.msk $0xffff, v1  }
0x9f: {  	[tilespmem:s24+$0x17210] =	vst.add.f32.msk $0xffff, v2  }
0xa0: {  	p0 =	seq.s32 s20, $0xF;
	[tilespmem:s24+$0x17220] =	vst.add.f32.msk $0xffff, v3  }
.Ltmp3:
0xa1: {  	[tilespmem:s24+$0x17230] =	vst.add.f32.msk $0xffff, v4;
	(pc) =	sbr.rel @p0 .LBB2_10-.Ltmp3, $4  }
0xa2: {  	s7 =	sadd.s32 s22, s10;
	[tilespmem:s24+$0x17240] =	vst.add.f32.msk $0xffff, v63  }
0xa3: {  	s7 =	sshll.u32 s7, $0x4;
	[tilespmem:s24+$0x17250] =	vst.add.f32.msk $0xffff, v5  }
0xa4: {  	s7 =	sadd.s32 s3, s7;
	[tilespmem:s24+$0x17260] =	vst.add.f32.msk $0xffff, v6  }
0xa5: {  	[hbm4b:s7+s4] =	stream.linear.scatter [tilespmem:s25], [sflag:$0x6], $0x4000, $0x38;
	[tilespmem:$0x1B200] =	vst v63  }
0xa6: {  	_ =	swait.ge [sflag:s2], $0x4000  }
.Ltmp4:
0xa7: {  	[sflag:s2] =	ssyncset.done $0x0;
	(pc) =	sbr.rel .LBB2_2-.Ltmp4, $4  }
0xa8: {  	s7 =	sadd.s32 $0x280, s22;
	[sflag:s2] =	ssyncadd.s32 $0xFFFFC000  }
0xa9: {  	[tilespmem:s23], [sflag:$0x3] =	stream.indirect.gather [hbm4b:s1+s16], $0x80, s7, s16, $0xb8;
	[tilespmem:$0x1B200] =	vst v63  }
0xaa: {  	s24 =	sadd.s32 $0x1B80, s22;
	s20 =	sadd.s32 $0x1, s20  }
0xab: {  	[tilespmem:s25], [sflag:$0x3] =	stream.indirect.gather [hbm4b:s6+s16], $0x80, s24, s16, $0xb8;
	[tilespmem:$0x1B200] =	vst v63  }
.LBB2_10:
0xac: {  	_ =	swait.ge [sflag:s26], $0x4000  }
0xad: {  	[sflag:s26] =	ssyncset.done $0x0  }
0xae: {  	[sflag:s26] =	ssyncadd.s32 $0xFFFFC000  }
0xaf: {  	_ =	swait.ge [sflag:s26], $0x4000  }
0xb0: {  	[sflag:s26] =	ssyncset.done $0x0  }
0xb1: {  	s20 =	simm.s32 $0x0;
	s7 =	simm.s32 $0x200;
	[sflag:s26] =	ssyncadd.s32 $0xFFFFC000  }
.LBB2_11:
0xb2: {  	p0 =	sne.s32 s7, $0xFE00;
	v0 =	vld [tilespmem:s20+$0x3270]  }
0xb3: {  	v1 =	vld [tilespmem:s20+$0x3200]  }
0xb4: {  	v2 =	vld [tilespmem:s20+$0x3210]  }
0xb5: {  	v3 =	vld [tilespmem:s20+$0x3220]  }
0xb6: {  	v4 =	vld [tilespmem:s20+$0x3230]  }
0xb7: {  	[tilespmem:s20+$0xF270] =	vst.add.f32.msk $0xffff, v0  }
0xb8: {  	v0 =	vld [tilespmem:s20+$0x3240]  }
0xb9: {  	v5 =	vld [tilespmem:s20+$0x3250]  }
0xba: {  	v6 =	vld [tilespmem:s20+$0x3260]  }
0xbb: {  	[tilespmem:s20+$0xF200] =	vst.add.f32.msk $0xffff, v1  }
0xbc: {  	[tilespmem:s20+$0xF210] =	vst.add.f32.msk $0xffff, v2  }
.Ltmp5:
0xbd: {  	[tilespmem:s20+$0xF220] =	vst.add.f32.msk $0xffff, v3;
	(pc) =	sbr.rel @p0 .LBB2_11-.Ltmp5, $4  }
0xbe: {  	[tilespmem:s20+$0xF230] =	vst.add.f32.msk $0xffff, v4  }
0xbf: {  	[tilespmem:s20+$0xF240] =	vst.add.f32.msk $0xffff, v0  }
0xc0: {  	[tilespmem:s20+$0xF250] =	vst.add.f32.msk $0xffff, v5  }
0xc1: {  	[tilespmem:s20+$0xF260] =	vst.add.f32.msk $0xffff, v6;
	s20 =	sshra.s32 s7, $0x2;
	s7 =	sadd.s32 $0x200, s7  }
0xc2: {  	v0 =	vld [tilespmem:s20+$0x3270]  }
0xc3: {  	v1 =	vld [tilespmem:s20+$0x3200]  }
0xc4: {  	v2 =	vld [tilespmem:s20+$0x3210]  }
0xc5: {  	v3 =	vld [tilespmem:s20+$0x3220]  }
0xc6: {  	v4 =	vld [tilespmem:s20+$0x3230]  }
0xc7: {  	v63 =	vld [tilespmem:s20+$0x3240]  }
0xc8: {  	v5 =	vld [tilespmem:s20+$0x3250]  }
0xc9: {  	v6 =	vld [tilespmem:s20+$0x3260]  }
0xca: {  	[tilespmem:s20+$0xF270] =	vst.add.f32.msk $0xffff, v0  }
0xcb: {  	[tilespmem:s20+$0xF200] =	vst.add.f32.msk $0xffff, v1  }
0xcc: {  	[tilespmem:s20+$0xF210] =	vst.add.f32.msk $0xffff, v2  }
0xcd: {  	[tilespmem:s20+$0xF220] =	vst.add.f32.msk $0xffff, v3  }
0xce: {  	[tilespmem:s20+$0xF230] =	vst.add.f32.msk $0xffff, v4  }
0xcf: {  	[tilespmem:s20+$0xF240] =	vst.add.f32.msk $0xffff, v63  }
0xd0: {  	[tilespmem:s20+$0xF250] =	vst.add.f32.msk $0xffff, v5  }
0xd1: {  	s7 =	simm.s32 $0x0;
	[tilespmem:s20+$0xF260] =	vst.add.f32.msk $0xffff, v6  }
0xd2: {  	[hbm4b:s11+s7] =	stream.linear.scatter [tilespmem:s18], [sflag:$0x4], $0x4000, $0x38;
	[tilespmem:$0x1B200] =	vst v63  }
0xd3: {  	_ =	swait.ge [sflag:s29], $0x4000  }
0xd4: {  	[sflag:s29] =	ssyncset.done $0x0  }
0xd5: {  	[sflag:s29] =	ssyncadd.s32 $0xFFFFC000  }
0xd6: {  	_ =	swait.ge [sflag:s29], $0x4000  }
0xd7: {  	[sflag:s29] =	ssyncset.done $0x0  }
0xd8: {  	s20 =	simm.s32 $0x0;
	s7 =	simm.s32 $0x200;
	[sflag:s29] =	ssyncadd.s32 $0xFFFFC000  }
.LBB2_13:
0xd9: {  	p0 =	sne.s32 s7, $0xFE00;
	v0 =	vld [tilespmem:s20+$0x7270]  }
0xda: {  	v1 =	vld [tilespmem:s20+$0x7200]  }
0xdb: {  	v2 =	vld [tilespmem:s20+$0x7210]  }
0xdc: {  	v3 =	vld [tilespmem:s20+$0x7220]  }
0xdd: {  	v4 =	vld [tilespmem:s20+$0x7230]  }
0xde: {  	[tilespmem:s20+$0x13270] =	vst.add.f32.msk $0xffff, v0  }
0xdf: {  	v0 =	vld [tilespmem:s20+$0x7240]  }
0xe0: {  	v5 =	vld [tilespmem:s20+$0x7250]  }
0xe1: {  	v6 =	vld [tilespmem:s20+$0x7260]  }
0xe2: {  	[tilespmem:s20+$0x13200] =	vst.add.f32.msk $0xffff, v1  }
0xe3: {  	[tilespmem:s20+$0x13210] =	vst.add.f32.msk $0xffff, v2  }
.Ltmp6:
0xe4: {  	[tilespmem:s20+$0x13220] =	vst.add.f32.msk $0xffff, v3;
	(pc) =	sbr.rel @p0 .LBB2_13-.Ltmp6, $4  }
0xe5: {  	[tilespmem:s20+$0x13230] =	vst.add.f32.msk $0xffff, v4  }
0xe6: {  	[tilespmem:s20+$0x13240] =	vst.add.f32.msk $0xffff, v0  }
0xe7: {  	[tilespmem:s20+$0x13250] =	vst.add.f32.msk $0xffff, v5  }
0xe8: {  	[tilespmem:s20+$0x13260] =	vst.add.f32.msk $0xffff, v6;
	s20 =	sshra.s32 s7, $0x2;
	s7 =	sadd.s32 $0x200, s7  }
0xe9: {  	v0 =	vld [tilespmem:s20+$0x7270]  }
0xea: {  	v1 =	vld [tilespmem:s20+$0x7200]  }
0xeb: {  	v2 =	vld [tilespmem:s20+$0x7210]  }
0xec: {  	v3 =	vld [tilespmem:s20+$0x7220]  }
0xed: {  	v4 =	vld [tilespmem:s20+$0x7230]  }
0xee: {  	v63 =	vld [tilespmem:s20+$0x7240]  }
0xef: {  	v5 =	vld [tilespmem:s20+$0x7250]  }
0xf0: {  	v6 =	vld [tilespmem:s20+$0x7260]  }
0xf1: {  	[tilespmem:s20+$0x13270] =	vst.add.f32.msk $0xffff, v0  }
0xf2: {  	[tilespmem:s20+$0x13200] =	vst.add.f32.msk $0xffff, v1  }
0xf3: {  	[tilespmem:s20+$0x13210] =	vst.add.f32.msk $0xffff, v2  }
0xf4: {  	[tilespmem:s20+$0x13220] =	vst.add.f32.msk $0xffff, v3  }
0xf5: {  	[tilespmem:s20+$0x13230] =	vst.add.f32.msk $0xffff, v4  }
0xf6: {  	[tilespmem:s20+$0x13240] =	vst.add.f32.msk $0xffff, v63  }
0xf7: {  	[tilespmem:s20+$0x13250] =	vst.add.f32.msk $0xffff, v5  }
0xf8: {  	[tilespmem:s20+$0x13260] =	vst.add.f32.msk $0xffff, v6  }
0xf9: {  	[hbm4b:s12+s4] =	stream.linear.scatter [tilespmem:s21], [sflag:$0x5], $0x4000, $0x38;
	[tilespmem:$0x1B200] =	vst v63  }
0xfa: {  	_ =	swait.ge [sflag:s28], $0x4000  }
0xfb: {  	[sflag:s28] =	ssyncset.done $0x0  }
0xfc: {  	s0 =	sadd.s32 $0x1, s0;
	[sflag:s28] =	ssyncadd.s32 $0xFFFFC000  }
0xfd: {  	p0 =	sne.s32 s0, s13;
	_ =	swait.ge [sflag:s30], $0x4000  }
.Ltmp7:
0xfe: {  	[sflag:s30] =	ssyncset.done $0x0;
	(pc) =	sbr.rel @p0 .LBB2_1-.Ltmp7, $4  }
0xff: {  	[sflag:s30] =	ssyncadd.s32 $0xFFFFC000  }
0x100: {  	_ =	swait.ge [sflag:s2], $0x4000  }
0x101: {  	[sflag:s2] =	ssyncset.done $0x0  }
0x102: {  	[sflag:s2] =	ssyncadd.s32 $0xFFFFC000  }
0x103: {  	_ =	sfence.sel $0x180000  }
0x104: {  	[bflag:$0x0] =	sbarrier.arrive $0xFFFF  }
0x105: {  	_ =	strace $0x90000047  }
0x106: {  	s0 =	stileid.u32;
	[bflag:$0x2] =	sbarrier.arrive $0xFFFF  }
0x107: {  	p0 =	sne.s32 s0, $0x0;
	s0 =	rddreg [dreg:$0x3]  }
0x108: {  	s0 =	sadd.s32 @!p0 $0x100000, s0  }
0x109: {  	[sflag:s0] =	ssyncadd.tile.s32 @!p0 $0x1;
	_ =	shalt  }
.Lfunc_end2:
_tile_overlayer_lowered:
.L_overlay_start_2:
0x10a: {  	(tag) =	ssettag $0x2  }
0x10b: {  	s0 =	rddreg [dreg:$0x0];
	s2 =	stileid.u32  }
0x10c: {  	s1 =	rddreg [dreg:$0x1];
	p0 =	sne.s32 s2, $0x0  }
0x10d: {  	s3 =	rddreg [dreg:$0x2];
	[bflag:$0x3] =	sbarrier.arrive $0xFFFF;
	s2 =	simm.s32 @!p0 $0x1C07  }
0x10e: {  	[timem:s3], [sflag:s2] =	dma.local @!p0 [hbm:s0], s1  }
0x10f: {  	s0 =	simm.s32 @!p0 $0x7  }
0x110: {  	_ =	swait.ge @!p0 [sflag:s0], s1  }
0x111: {  	s1 =	ssub.s32 @!p0 $0x0, s1;
	[sflag:s0] =	ssyncset.done @!p0 $0x0  }
0x112: {  	[sflag:s0] =	ssyncadd.s32 @!p0 s1  }
0x113: {  	[bflag:$0x3] =	sbarrier.arrive $0xFFFF  }
0x114: {  	_ =	shalt  }

</sc_bundles>
